<compile_context>
chip_gen: v7x
topology: tpu7x:2x2x1
jax: 0.10.2.dev20260603
libtpu: 0.0.44.dev20260713+nightly
codegen_flags: <defaults>
</compile_context>

<pallas_src>
import functools

import jax
import jax.numpy as jnp
from jax import lax
from jax.experimental import pallas as pl
from jax.experimental.pallas import tpu as pltpu
from jax.experimental.pallas import tpu_sc as plsc

N = 2048
ROWS_PER_BLOCK = 256

def _inverse_batch_perm(B):
    perm = jax.random.permutation(jax.random.key(42), B)
    return jnp.argsort(perm).astype(jnp.int32)


def _stage(v_ref, id_ref, ii, j, a_mask):
    n, r = v_ref.shape
    m = n // (2 * j)
    v = v_ref[...]
    ids = id_ref[...]
    a = v.reshape(m, 2, j, r)
    vp = jnp.concatenate([a[:, 1:], a[:, :1]], axis=1).reshape(n, r)
    b = ids.reshape(m, 2, j, r)
    idp = jnp.concatenate([b[:, 1:], b[:, :1]], axis=1).reshape(n, r)
    ab = a_mask ^ ((ii & j) == 0)
    less = (v < vp) | ((v == vp) & (ids < idp))
    take = less ^ ab
    v_ref[...] = jnp.where(take, vp, v)
    id_ref[...] = jnp.where(take, idp, ids)


def _sort_kernel_body(iperm_ref, x_ref, bv_ref, idx_ref, nbv_ref,
                      v_ref, id_ref):
    del iperm_ref
    v_ref[...] = x_ref[0].T
    id_ref[...] = lax.broadcasted_iota(jnp.int32, (N, ROWS_PER_BLOCK), 0)
    ii = lax.broadcasted_iota(jnp.int32, (N, 1), 0)

    def phase(p, carry):
        k = jnp.left_shift(1, p)
        a_mask = (ii & k) != 0
        for q in range(10, -1, -1):
            @pl.when(q < p)
            def _():
                _stage(v_ref, id_ref, ii, 1 << q, a_mask)
        return carry

    lax.fori_loop(1, 12, phase, 0)
    idx_ref[0] = id_ref[...].T
    nbv_ref[0] = 0.9 * bv_ref[0] + 0.1 * v_ref[...].T


def _tc_sort(x3, bv3):
    B, C, _ = x3.shape
    cblocks = C // ROWS_PER_BLOCK

    blk = (1, ROWS_PER_BLOCK, N)
    grid_spec = pltpu.PrefetchScalarGridSpec(
        num_scalar_prefetch=1,
        grid=(B, cblocks),
        in_specs=[
            pl.BlockSpec(blk, lambda b, c, ip: (b, c, 0)),
            pl.BlockSpec(blk, lambda b, c, ip: (ip[b], c, 0)),
        ],
        out_specs=[
            pl.BlockSpec(blk, lambda b, c, ip: (b, c, 0)),
            pl.BlockSpec(blk, lambda b, c, ip: (ip[b], c, 0)),
        ],
        scratch_shapes=[
            pltpu.VMEM((N, ROWS_PER_BLOCK), jnp.float32),
            pltpu.VMEM((N, ROWS_PER_BLOCK), jnp.int32),
        ],
    )
    return pl.pallas_call(
        _sort_kernel_body,
        grid_spec=grid_spec,
        out_shape=[
            jax.ShapeDtypeStruct((B, C, N), jnp.int32),
            jax.ShapeDtypeStruct((B, C, N), jnp.float32),
        ],
        compiler_params=pltpu.CompilerParams(
            dimension_semantics=("arbitrary", "arbitrary"),
        ),
    )(_inverse_batch_perm(B), x3, bv3)


_SC_ROWS = 16


def _make_sc_scatter(num_rows):
    mesh = plsc.VectorSubcoreMesh(core_axis_name="c", subcore_axis_name="s")
    info = plsc.get_sparse_core_info()
    nworkers = info.num_cores * info.num_subcores
    rows_per_worker = num_rows // nworkers
    groups = rows_per_worker // _SC_ROWS
    assert num_rows % (nworkers * _SC_ROWS) == 0

    @functools.partial(
        pl.kernel,
        mesh=mesh,
        out_type=jax.ShapeDtypeStruct((num_rows, N), jnp.float32),
        scratch_types=[
            pltpu.VMEM((_SC_ROWS, N), jnp.int32),
            pltpu.VMEM((_SC_ROWS, N), jnp.float32),
            pltpu.VMEM((_SC_ROWS, N), jnp.float32),
        ],
        compiler_params=pltpu.CompilerParams(needs_layout_passes=False),
    )
    def scatter_kernel(idx_hbm, nbv_hbm, out_hbm, idx_v, nbv_v, out_v):
        wid = lax.axis_index("s") * info.num_cores + lax.axis_index("c")
        base = wid * rows_per_worker
        rowvs = [jnp.full((16,), rr, jnp.int32) for rr in range(_SC_ROWS)]

        def body(g, carry):
            r = base + g * _SC_ROWS
            pltpu.sync_copy(idx_hbm.at[pl.ds(r, _SC_ROWS)], idx_v)
            pltpu.sync_copy(nbv_hbm.at[pl.ds(r, _SC_ROWS)], nbv_v)

            def chunk(kk, c2):
                for rr in range(_SC_ROWS):
                    iv = idx_v[rr, pl.ds(kk * 16, 16)]
                    xv = nbv_v[rr, pl.ds(kk * 16, 16)]
                    plsc.store_scatter(out_v, [rowvs[rr], iv], xv)
                return c2

            lax.fori_loop(0, N // 16, chunk, 0)
            pltpu.sync_copy(out_v, out_hbm.at[pl.ds(r, _SC_ROWS)])
            return carry

        lax.fori_loop(0, groups, body, 0)

    return scatter_kernel


def kernel(x, batch_value):
    B, C, W, H = x.shape
    x3 = x.reshape(B, C, N)
    nsplit = 2 if C // 2 >= ROWS_PER_BLOCK else 1
    half = C // nsplit
    sc = _make_sc_scatter(B * half)
    outs = []
    for s in range(nsplit):
        xh = x3[:, s * half:(s + 1) * half]
        bvh = batch_value[:, s * half:(s + 1) * half]
        idx, nbv = _tc_sort(xh, bvh)
        outs.append(sc(idx.reshape(B * half, N), nbv.reshape(B * half, N))
                    .reshape(B, half, W, H))
    return outs[0] if nsplit == 1 else jnp.concatenate(outs, axis=1)

# --- scband reference (transcript-rebuilt; emitter-appended) ---
"""Pipeline reference for scband-efdmbatch-44590350467748 (READ-ONLY COPY).

The authoritative reference and input builder live on the scoring server;
editing this copy changes nothing except your own understanding.
"""

import jax, jax.numpy as jnp
import numpy as np


def setup_inputs(seed: int = 0) -> dict:
    key = jax.random.key(seed)
    kx, kb = jax.random.split(key)
    x = jax.random.normal(kx, (48, 256, 32, 64), dtype=jnp.float32)
    # buffer: registered as torch.rand([48, 256, 2048])
    batch_value = jax.random.uniform(kb, (48, 256, 2048), dtype=jnp.float32)
    return {"x": x, "batch_value": batch_value}


def reference(x, batch_value):
    # Training path of EFDMBatch.forward (p=1.0 -> random.random() > p is always False).
    B, C, W, H = x.shape
    content = x.reshape(B, C, -1)
    # style = x.detach()[perm]; fixed key stands in for torch.randperm
    perm = jax.random.permutation(jax.random.key(42), B)
    style = jax.lax.stop_gradient(x)[perm].reshape(B, C, -1)
    # _, index_content = torch.sort(content)
    index_content = jnp.argsort(content, axis=-1)
    # value_style, _ = torch.sort(style)
    value_style = jnp.sort(style, axis=-1)
    # EMA buffer update happens BEFORE the gather
    new_batch_value = 0.9 * batch_value + 0.1 * value_style
    inverse_index = jnp.argsort(index_content, axis=-1)
    gathered = jnp.take_along_axis(new_batch_value, inverse_index, axis=-1)
    transferred = content + jax.lax.stop_gradient(gathered - content)
    return transferred.reshape(B, C, W, H)

if __name__ == "__main__":
    import jax
    _d = setup_inputs()
    print(jax.jit(kernel)(*tuple(_d.values())))

</pallas_src>

<mosaic_0001>
#map = affine_map<(d0, d1) -> (0, 0)>
module attributes {stable_mosaic.version = 14 : i64} {
  func.func @scatter_kernel(%arg0: i32, %arg1: i32, %arg2: memref<12288x2048xi32, #tpu.memory_space<hbm>>, %arg3: memref<12288x2048xf32, #tpu.memory_space<hbm>>, %arg4: memref<12288x2048xf32, #tpu.memory_space<hbm>>, %arg5: memref<16x2048xi32, #tpu.memory_space<vmem>>, %arg6: memref<16x2048xf32, #tpu.memory_space<vmem>>, %arg7: memref<16x2048xf32, #tpu.memory_space<vmem>>) attributes {dimension_semantics = [#tpu.dimension_semantics<core_parallel>, #tpu.dimension_semantics<subcore_parallel>], iteration_bounds = array<i64: 2, 16>, scalar_prefetch = 0 : i64, scratch_operands = 3 : i64, tpu.core_type = #tpu.core_type<sc_vector_subcore>, window_params = [{transform_indices = #map}, {transform_indices = #map}, {transform_indices = #map}]} {
    %mul3A = arith.constant 2 : i32
    %mul3A_0 = arith.muli %arg1, %mul3A : i32
    %add3A = arith.addi %mul3A_0, %arg0 : i32
    %mul3A_1 = arith.constant 384 : i32
    %mul3A_2 = arith.muli %add3A, %mul3A_1 : i32
    %broadcast_in_dim3A = arith.constant 0 : i32
    %broadcast_in_dim3A_3 = vector.broadcast %broadcast_in_dim3A : i32 to vector<16xi32>
    %broadcast_in_dim3A_4 = arith.constant 1 : i32
    %broadcast_in_dim3A_5 = vector.broadcast %broadcast_in_dim3A_4 : i32 to vector<16xi32>
    %broadcast_in_dim3A_6 = arith.constant 2 : i32
    %broadcast_in_dim3A_7 = vector.broadcast %broadcast_in_dim3A_6 : i32 to vector<16xi32>
    %broadcast_in_dim3A_8 = arith.constant 3 : i32
    %broadcast_in_dim3A_9 = vector.broadcast %broadcast_in_dim3A_8 : i32 to vector<16xi32>
    %broadcast_in_dim3A_10 = arith.constant 4 : i32
    %broadcast_in_dim3A_11 = vector.broadcast %broadcast_in_dim3A_10 : i32 to vector<16xi32>
    %broadcast_in_dim3A_12 = arith.constant 5 : i32
    %broadcast_in_dim3A_13 = vector.broadcast %broadcast_in_dim3A_12 : i32 to vector<16xi32>
    %broadcast_in_dim3A_14 = arith.constant 6 : i32
    %broadcast_in_dim3A_15 = vector.broadcast %broadcast_in_dim3A_14 : i32 to vector<16xi32>
    %broadcast_in_dim3A_16 = arith.constant 7 : i32
    %broadcast_in_dim3A_17 = vector.broadcast %broadcast_in_dim3A_16 : i32 to vector<16xi32>
    %broadcast_in_dim3A_18 = arith.constant 8 : i32
    %broadcast_in_dim3A_19 = vector.broadcast %broadcast_in_dim3A_18 : i32 to vector<16xi32>
    %broadcast_in_dim3A_20 = arith.constant 9 : i32
    %broadcast_in_dim3A_21 = vector.broadcast %broadcast_in_dim3A_20 : i32 to vector<16xi32>
    %broadcast_in_dim3A_22 = arith.constant 10 : i32
    %broadcast_in_dim3A_23 = vector.broadcast %broadcast_in_dim3A_22 : i32 to vector<16xi32>
    %broadcast_in_dim3A_24 = arith.constant 11 : i32
    %broadcast_in_dim3A_25 = vector.broadcast %broadcast_in_dim3A_24 : i32 to vector<16xi32>
    %broadcast_in_dim3A_26 = arith.constant 12 : i32
    %broadcast_in_dim3A_27 = vector.broadcast %broadcast_in_dim3A_26 : i32 to vector<16xi32>
    %broadcast_in_dim3A_28 = arith.constant 13 : i32
    %broadcast_in_dim3A_29 = vector.broadcast %broadcast_in_dim3A_28 : i32 to vector<16xi32>
    %broadcast_in_dim3A_30 = arith.constant 14 : i32
    %broadcast_in_dim3A_31 = vector.broadcast %broadcast_in_dim3A_30 : i32 to vector<16xi32>
    %broadcast_in_dim3A_32 = arith.constant 15 : i32
    %broadcast_in_dim3A_33 = vector.broadcast %broadcast_in_dim3A_32 : i32 to vector<16xi32>
    %scan3A = arith.constant 0 : i32
    %scan3A_34 = arith.constant 0 : i32
    %scan3A_35 = arith.constant 24 : i32
    %scan3A_36 = arith.addi %scan3A_34, %scan3A_35 : i32
    %scan3A_37 = arith.constant 1 : i32
    scf.for %scan3A_39 = %scan3A_34 to %scan3A_36 step %scan3A_37  : i32 {
      %mul3A_40 = arith.constant 16 : i32
      %mul3A_41 = arith.muli %scan3A_39, %mul3A_40 : i32
      %add3A_42 = arith.addi %mul3A_2, %mul3A_41 : i32
      "tpu.region"() ({
        %run_scoped3A = tpu.sem_alloc : memref<!tpu.dma_semaphore, #tpu.memory_space<semaphore_mem>>
        %dma_start3A = arith.constant 0 : i32
        %dma_start3A_49 = tpu.memref_slice %arg2[%add3A_42, %dma_start3A] : memref<12288x2048xi32, #tpu.memory_space<hbm>> -> memref<16x2048xi32, #tpu.memory_space<hbm>>
        %dma_start3A_50 = arith.constant 0 : i32
        %dma_start3A_51 = tpu.memref_slice %arg2[%add3A_42, %dma_start3A_50] : memref<12288x2048xi32, #tpu.memory_space<hbm>> -> memref<16x2048xi32, #tpu.memory_space<hbm>>
        tpu.enqueue_dma source(%dma_start3A_51 : memref<16x2048xi32, #tpu.memory_space<hbm>>) target(%arg5 : memref<16x2048xi32, #tpu.memory_space<vmem>>) target_semaphore(%run_scoped3A : memref<!tpu.dma_semaphore, #tpu.memory_space<semaphore_mem>>)
        %dma_wait3A = arith.constant 0 : i32
        %dma_wait3A_52 = tpu.memref_slice %arg2[%add3A_42, %dma_wait3A] : memref<12288x2048xi32, #tpu.memory_space<hbm>> -> memref<16x2048xi32, #tpu.memory_space<hbm>>
        %dma_wait3A_53 = arith.constant 0 : i32
        %dma_wait3A_54 = tpu.memref_slice %arg2[%add3A_42, %dma_wait3A_53] : memref<12288x2048xi32, #tpu.memory_space<hbm>> -> memref<16x2048xi32, #tpu.memory_space<hbm>>
        tpu.wait_dma2 semaphore(%run_scoped3A : memref<!tpu.dma_semaphore, #tpu.memory_space<semaphore_mem>>) src(%dma_wait3A_54 : memref<16x2048xi32, #tpu.memory_space<hbm>>) dst(%arg5 : memref<16x2048xi32, #tpu.memory_space<vmem>>)
        tpu.yield
      }) : () -> ()
      "tpu.region"() ({
        %run_scoped3A = tpu.sem_alloc : memref<!tpu.dma_semaphore, #tpu.memory_space<semaphore_mem>>
        %dma_start3A = arith.constant 0 : i32
        %dma_start3A_49 = tpu.memref_slice %arg3[%add3A_42, %dma_start3A] : memref<12288x2048xf32, #tpu.memory_space<hbm>> -> memref<16x2048xf32, #tpu.memory_space<hbm>>
        %dma_start3A_50 = arith.constant 0 : i32
        %dma_start3A_51 = tpu.memref_slice %arg3[%add3A_42, %dma_start3A_50] : memref<12288x2048xf32, #tpu.memory_space<hbm>> -> memref<16x2048xf32, #tpu.memory_space<hbm>>
        tpu.enqueue_dma source(%dma_start3A_51 : memref<16x2048xf32, #tpu.memory_space<hbm>>) target(%arg6 : memref<16x2048xf32, #tpu.memory_space<vmem>>) target_semaphore(%run_scoped3A : memref<!tpu.dma_semaphore, #tpu.memory_space<semaphore_mem>>)
        %dma_wait3A = arith.constant 0 : i32
        %dma_wait3A_52 = tpu.memref_slice %arg3[%add3A_42, %dma_wait3A] : memref<12288x2048xf32, #tpu.memory_space<hbm>> -> memref<16x2048xf32, #tpu.memory_space<hbm>>
        %dma_wait3A_53 = arith.constant 0 : i32
        %dma_wait3A_54 = tpu.memref_slice %arg3[%add3A_42, %dma_wait3A_53] : memref<12288x2048xf32, #tpu.memory_space<hbm>> -> memref<16x2048xf32, #tpu.memory_space<hbm>>
        tpu.wait_dma2 semaphore(%run_scoped3A : memref<!tpu.dma_semaphore, #tpu.memory_space<semaphore_mem>>) src(%dma_wait3A_54 : memref<16x2048xf32, #tpu.memory_space<hbm>>) dst(%arg6 : memref<16x2048xf32, #tpu.memory_space<vmem>>)
        tpu.yield
      }) : () -> ()
      %scan3A_43 = arith.constant 0 : i32
      %scan3A_44 = arith.constant 0 : i32
      %scan3A_45 = arith.constant 128 : i32
      %scan3A_46 = arith.addi %scan3A_44, %scan3A_45 : i32
      %scan3A_47 = arith.constant 1 : i32
      scf.for %scan3A_49 = %scan3A_44 to %scan3A_46 step %scan3A_47  : i32 {
        %mul3A_50 = arith.constant 16 : i32
        %mul3A_51 = arith.muli %scan3A_49, %mul3A_50 : i32
        %get3A = arith.constant 0 : i32
        %get3A_52 = arith.index_cast %get3A : i32 to index
        %get3A_53 = arith.index_cast %mul3A_51 : i32 to index
        %get3A_54 = tpu.vector_load %arg5[%get3A_52, %get3A_53] {strides = array<i32>} : memref<16x2048xi32, #tpu.memory_space<vmem>>, vector<16xi32>,
        %mul3A_55 = arith.constant 16 : i32
        %mul3A_56 = arith.muli %scan3A_49, %mul3A_55 : i32
        %get3A_57 = arith.constant 0 : i32
        %get3A_58 = arith.index_cast %get3A_57 : i32 to index
        %get3A_59 = arith.index_cast %mul3A_56 : i32 to index
        %get3A_60 = tpu.vector_load %arg6[%get3A_58, %get3A_59] {strides = array<i32>} : memref<16x2048xf32, #tpu.memory_space<vmem>>, vector<16xf32>,
        tpu.vector_store_idx %arg7[%broadcast_in_dim3A_3, %get3A_54], %get3A_60 : memref<16x2048xf32, #tpu.memory_space<vmem>>[vector<16xi32>, vector<16xi32>], vector<16xf32>,
        %mul3A_61 = arith.constant 16 : i32
        %mul3A_62 = arith.muli %scan3A_49, %mul3A_61 : i32
        %get3A_63 = arith.constant 1 : i32
        %get3A_64 = arith.index_cast %get3A_63 : i32 to index
        %get3A_65 = arith.index_cast %mul3A_62 : i32 to index
        %get3A_66 = tpu.vector_load %arg5[%get3A_64, %get3A_65] {strides = array<i32>} : memref<16x2048xi32, #tpu.memory_space<vmem>>, vector<16xi32>,
        %mul3A_67 = arith.constant 16 : i32
        %mul3A_68 = arith.muli %scan3A_49, %mul3A_67 : i32
        %get3A_69 = arith.constant 1 : i32
        %get3A_70 = arith.index_cast %get3A_69 : i32 to index
        %get3A_71 = arith.index_cast %mul3A_68 : i32 to index
        %get3A_72 = tpu.vector_load %arg6[%get3A_70, %get3A_71] {strides = array<i32>} : memref<16x2048xf32, #tpu.memory_space<vmem>>, vector<16xf32>,
        tpu.vector_store_idx %arg7[%broadcast_in_dim3A_5, %get3A_66], %get3A_72 : memref<16x2048xf32, #tpu.memory_space<vmem>>[vector<16xi32>, vector<16xi32>], vector<16xf32>,
        %mul3A_73 = arith.constant 16 : i32
        %mul3A_74 = arith.muli %scan3A_49, %mul3A_73 : i32
        %get3A_75 = arith.constant 2 : i32
        %get3A_76 = arith.index_cast %get3A_75 : i32 to index
        %get3A_77 = arith.index_cast %mul3A_74 : i32 to index
        %get3A_78 = tpu.vector_load %arg5[%get3A_76, %get3A_77] {strides = array<i32>} : memref<16x2048xi32, #tpu.memory_space<vmem>>, vector<16xi32>,
        %mul3A_79 = arith.constant 16 : i32
        %mul3A_80 = arith.muli %scan3A_49, %mul3A_79 : i32
        %get3A_81 = arith.constant 2 : i32
        %get3A_82 = arith.index_cast %get3A_81 : i32 to index
        %get3A_83 = arith.index_cast %mul3A_80 : i32 to index
        %get3A_84 = tpu.vector_load %arg6[%get3A_82, %get3A_83] {strides = array<i32>} : memref<16x2048xf32, #tpu.memory_space<vmem>>, vector<16xf32>,
        tpu.vector_store_idx %arg7[%broadcast_in_dim3A_7, %get3A_78], %get3A_84 : memref<16x2048xf32, #tpu.memory_space<vmem>>[vector<16xi32>, vector<16xi32>], vector<16xf32>,
        %mul3A_85 = arith.constant 16 : i32
        %mul3A_86 = arith.muli %scan3A_49, %mul3A_85 : i32
        %get3A_87 = arith.constant 3 : i32
        %get3A_88 = arith.index_cast %get3A_87 : i32 to index
        %get3A_89 = arith.index_cast %mul3A_86 : i32 to index
        %get3A_90 = tpu.vector_load %arg5[%get3A_88, %get3A_89] {strides = array<i32>} : memref<16x2048xi32, #tpu.memory_space<vmem>>, vector<16xi32>,
        %mul3A_91 = arith.constant 16 : i32
        %mul3A_92 = arith.muli %scan3A_49, %mul3A_91 : i32
        %get3A_93 = arith.constant 3 : i32
        %get3A_94 = arith.index_cast %get3A_93 : i32 to index
        %get3A_95 = arith.index_cast %mul3A_92 : i32 to index
        %get3A_96 = tpu.vector_load %arg6[%get3A_94, %get3A_95] {strides = array<i32>} : memref<16x2048xf32, #tpu.memory_space<vmem>>, vector<16xf32>,
        tpu.vector_store_idx %arg7[%broadcast_in_dim3A_9, %get3A_90], %get3A_96 : memref<16x2048xf32, #tpu.memory_space<vmem>>[vector<16xi32>, vector<16xi32>], vector<16xf32>,
        %mul3A_97 = arith.constant 16 : i32
        %mul3A_98 = arith.muli %scan3A_49, %mul3A_97 : i32
        %get3A_99 = arith.constant 4 : i32
        %get3A_100 = arith.index_cast %get3A_99 : i32 to index
        %get3A_101 = arith.index_cast %mul3A_98 : i32 to index
        %get3A_102 = tpu.vector_load %arg5[%get3A_100, %get3A_101] {strides = array<i32>} : memref<16x2048xi32, #tpu.memory_space<vmem>>, vector<16xi32>,
        %mul3A_103 = arith.constant 16 : i32
        %mul3A_104 = arith.muli %scan3A_49, %mul3A_103 : i32
        %get3A_105 = arith.constant 4 : i32
        %get3A_106 = arith.index_cast %get3A_105 : i32 to index
        %get3A_107 = arith.index_cast %mul3A_104 : i32 to index
        %get3A_108 = tpu.vector_load %arg6[%get3A_106, %get3A_107] {strides = array<i32>} : memref<16x2048xf32, #tpu.memory_space<vmem>>, vector<16xf32>,
        tpu.vector_store_idx %arg7[%broadcast_in_dim3A_11, %get3A_102], %get3A_108 : memref<16x2048xf32, #tpu.memory_space<vmem>>[vector<16xi32>, vector<16xi32>], vector<16xf32>,
        %mul3A_109 = arith.constant 16 : i32
        %mul3A_110 = arith.muli %scan3A_49, %mul3A_109 : i32
        %get3A_111 = arith.constant 5 : i32
        %get3A_112 = arith.index_cast %get3A_111 : i32 to index
        %get3A_113 = arith.index_cast %mul3A_110 : i32 to index
        %get3A_114 = tpu.vector_load %arg5[%get3A_112, %get3A_113] {strides = array<i32>} : memref<16x2048xi32, #tpu.memory_space<vmem>>, vector<16xi32>,
        %mul3A_115 = arith.constant 16 : i32
        %mul3A_116 = arith.muli %scan3A_49, %mul3A_115 : i32
        %get3A_117 = arith.constant 5 : i32
        %get3A_118 = arith.index_cast %get3A_117 : i32 to index
        %get3A_119 = arith.index_cast %mul3A_116 : i32 to index
        %get3A_120 = tpu.vector_load %arg6[%get3A_118, %get3A_119] {strides = array<i32>} : memref<16x2048xf32, #tpu.memory_space<vmem>>, vector<16xf32>,
        tpu.vector_store_idx %arg7[%broadcast_in_dim3A_13, %get3A_114], %get3A_120 : memref<16x2048xf32, #tpu.memory_space<vmem>>[vector<16xi32>, vector<16xi32>], vector<16xf32>,
        %mul3A_121 = arith.constant 16 : i32
        %mul3A_122 = arith.muli %scan3A_49, %mul3A_121 : i32
        %get3A_123 = arith.constant 6 : i32
        %get3A_124 = arith.index_cast %get3A_123 : i32 to index
        %get3A_125 = arith.index_cast %mul3A_122 : i32 to index
        %get3A_126 = tpu.vector_load %arg5[%get3A_124, %get3A_125] {strides = array<i32>} : memref<16x2048xi32, #tpu.memory_space<vmem>>, vector<16xi32>,
        %mul3A_127 = arith.constant 16 : i32
        %mul3A_128 = arith.muli %scan3A_49, %mul3A_127 : i32
        %get3A_129 = arith.constant 6 : i32
        %get3A_130 = arith.index_cast %get3A_129 : i32 to index
        %get3A_131 = arith.index_cast %mul3A_128 : i32 to index
        %get3A_132 = tpu.vector_load %arg6[%get3A_130, %get3A_131] {strides = array<i32>} : memref<16x2048xf32, #tpu.memory_space<vmem>>, vector<16xf32>,
        tpu.vector_store_idx %arg7[%broadcast_in_dim3A_15, %get3A_126], %get3A_132 : memref<16x2048xf32, #tpu.memory_space<vmem>>[vector<16xi32>, vector<16xi32>], vector<16xf32>,
        %mul3A_133 = arith.constant 16 : i32
        %mul3A_134 = arith.muli %scan3A_49, %mul3A_133 : i32
        %get3A_135 = arith.constant 7 : i32
        %get3A_136 = arith.index_cast %get3A_135 : i32 to index
        %get3A_137 = arith.index_cast %mul3A_134 : i32 to index
        %get3A_138 = tpu.vector_load %arg5[%get3A_136, %get3A_137] {strides = array<i32>} : memref<16x2048xi32, #tpu.memory_space<vmem>>, vector<16xi32>,
        %mul3A_139 = arith.constant 16 : i32
        %mul3A_140 = arith.muli %scan3A_49, %mul3A_139 : i32
        %get3A_141 = arith.constant 7 : i32
        %get3A_142 = arith.index_cast %get3A_141 : i32 to index
        %get3A_143 = arith.index_cast %mul3A_140 : i32 to index
        %get3A_144 = tpu.vector_load %arg6[%get3A_142, %get3A_143] {strides = array<i32>} : memref<16x2048xf32, #tpu.memory_space<vmem>>, vector<16xf32>,
        tpu.vector_store_idx %arg7[%broadcast_in_dim3A_17, %get3A_138], %get3A_144 : memref<16x2048xf32, #tpu.memory_space<vmem>>[vector<16xi32>, vector<16xi32>], vector<16xf32>,
        %mul3A_145 = arith.constant 16 : i32
        %mul3A_146 = arith.muli %scan3A_49, %mul3A_145 : i32
        %get3A_147 = arith.constant 8 : i32
        %get3A_148 = arith.index_cast %get3A_147 : i32 to index
        %get3A_149 = arith.index_cast %mul3A_146 : i32 to index
        %get3A_150 = tpu.vector_load %arg5[%get3A_148, %get3A_149] {strides = array<i32>} : memref<16x2048xi32, #tpu.memory_space<vmem>>, vector<16xi32>,
        %mul3A_151 = arith.constant 16 : i32
        %mul3A_152 = arith.muli %scan3A_49, %mul3A_151 : i32
        %get3A_153 = arith.constant 8 : i32
        %get3A_154 = arith.index_cast %get3A_153 : i32 to index
        %get3A_155 = arith.index_cast %mul3A_152 : i32 to index
        %get3A_156 = tpu.vector_load %arg6[%get3A_154, %get3A_155] {strides = array<i32>} : memref<16x2048xf32, #tpu.memory_space<vmem>>, vector<16xf32>,
        tpu.vector_store_idx %arg7[%broadcast_in_dim3A_19, %get3A_150], %get3A_156 : memref<16x2048xf32, #tpu.memory_space<vmem>>[vector<16xi32>, vector<16xi32>], vector<16xf32>,
        %mul3A_157 = arith.constant 16 : i32
        %mul3A_158 = arith.muli %scan3A_49, %mul3A_157 : i32
        %get3A_159 = arith.constant 9 : i32
        %get3A_160 = arith.index_cast %get3A_159 : i32 to index
        %get3A_161 = arith.index_cast %mul3A_158 : i32 to index
        %get3A_162 = tpu.vector_load %arg5[%get3A_160, %get3A_161] {strides = array<i32>} : memref<16x2048xi32, #tpu.memory_space<vmem>>, vector<16xi32>,
        %mul3A_163 = arith.constant 16 : i32
        %mul3A_164 = arith.muli %scan3A_49, %mul3A_163 : i32
        %get3A_165 = arith.constant 9 : i32
        %get3A_166 = arith.index_cast %get3A_165 : i32 to index
        %get3A_167 = arith.index_cast %mul3A_164 : i32 to index
        %get3A_168 = tpu.vector_load %arg6[%get3A_166, %get3A_167] {strides = array<i32>} : memref<16x2048xf32, #tpu.memory_space<vmem>>, vector<16xf32>,
        tpu.vector_store_idx %arg7[%broadcast_in_dim3A_21, %get3A_162], %get3A_168 : memref<16x2048xf32, #tpu.memory_space<vmem>>[vector<16xi32>, vector<16xi32>], vector<16xf32>,
        %mul3A_169 = arith.constant 16 : i32
        %mul3A_170 = arith.muli %scan3A_49, %mul3A_169 : i32
        %get3A_171 = arith.constant 10 : i32
        %get3A_172 = arith.index_cast %get3A_171 : i32 to index
        %get3A_173 = arith.index_cast %mul3A_170 : i32 to index
        %get3A_174 = tpu.vector_load %arg5[%get3A_172, %get3A_173] {strides = array<i32>} : memref<16x2048xi32, #tpu.memory_space<vmem>>, vector<16xi32>,
        %mul3A_175 = arith.constant 16 : i32
        %mul3A_176 = arith.muli %scan3A_49, %mul3A_175 : i32
        %get3A_177 = arith.constant 10 : i32
        %get3A_178 = arith.index_cast %get3A_177 : i32 to index
        %get3A_179 = arith.index_cast %mul3A_176 : i32 to index
        %get3A_180 = tpu.vector_load %arg6[%get3A_178, %get3A_179] {strides = array<i32>} : memref<16x2048xf32, #tpu.memory_space<vmem>>, vector<16xf32>,
        tpu.vector_store_idx %arg7[%broadcast_in_dim3A_23, %get3A_174], %get3A_180 : memref<16x2048xf32, #tpu.memory_space<vmem>>[vector<16xi32>, vector<16xi32>], vector<16xf32>,
        %mul3A_181 = arith.constant 16 : i32
        %mul3A_182 = arith.muli %scan3A_49, %mul3A_181 : i32
        %get3A_183 = arith.constant 11 : i32
        %get3A_184 = arith.index_cast %get3A_183 : i32 to index
        %get3A_185 = arith.index_cast %mul3A_182 : i32 to index
        %get3A_186 = tpu.vector_load %arg5[%get3A_184, %get3A_185] {strides = array<i32>} : memref<16x2048xi32, #tpu.memory_space<vmem>>, vector<16xi32>,
        %mul3A_187 = arith.constant 16 : i32
        %mul3A_188 = arith.muli %scan3A_49, %mul3A_187 : i32
        %get3A_189 = arith.constant 11 : i32
        %get3A_190 = arith.index_cast %get3A_189 : i32 to index
        %get3A_191 = arith.index_cast %mul3A_188 : i32 to index
        %get3A_192 = tpu.vector_load %arg6[%get3A_190, %get3A_191] {strides = array<i32>} : memref<16x2048xf32, #tpu.memory_space<vmem>>, vector<16xf32>,
        tpu.vector_store_idx %arg7[%broadcast_in_dim3A_25, %get3A_186], %get3A_192 : memref<16x2048xf32, #tpu.memory_space<vmem>>[vector<16xi32>, vector<16xi32>], vector<16xf32>,
        %mul3A_193 = arith.constant 16 : i32
        %mul3A_194 = arith.muli %scan3A_49, %mul3A_193 : i32
        %get3A_195 = arith.constant 12 : i32
        %get3A_196 = arith.index_cast %get3A_195 : i32 to index
        %get3A_197 = arith.index_cast %mul3A_194 : i32 to index
        %get3A_198 = tpu.vector_load %arg5[%get3A_196, %get3A_197] {strides = array<i32>} : memref<16x2048xi32, #tpu.memory_space<vmem>>, vector<16xi32>,
        %mul3A_199 = arith.constant 16 : i32
        %mul3A_200 = arith.muli %scan3A_49, %mul3A_199 : i32
        %get3A_201 = arith.constant 12 : i32
        %get3A_202 = arith.index_cast %get3A_201 : i32 to index
        %get3A_203 = arith.index_cast %mul3A_200 : i32 to index
        %get3A_204 = tpu.vector_load %arg6[%get3A_202, %get3A_203] {strides = array<i32>} : memref<16x2048xf32, #tpu.memory_space<vmem>>, vector<16xf32>,
        tpu.vector_store_idx %arg7[%broadcast_in_dim3A_27, %get3A_198], %get3A_204 : memref<16x2048xf32, #tpu.memory_space<vmem>>[vector<16xi32>, vector<16xi32>], vector<16xf32>,
        %mul3A_205 = arith.constant 16 : i32
        %mul3A_206 = arith.muli %scan3A_49, %mul3A_205 : i32
        %get3A_207 = arith.constant 13 : i32
        %get3A_208 = arith.index_cast %get3A_207 : i32 to index
        %get3A_209 = arith.index_cast %mul3A_206 : i32 to index
        %get3A_210 = tpu.vector_load %arg5[%get3A_208, %get3A_209] {strides = array<i32>} : memref<16x2048xi32, #tpu.memory_space<vmem>>, vector<16xi32>,
        %mul3A_211 = arith.constant 16 : i32
        %mul3A_212 = arith.muli %scan3A_49, %mul3A_211 : i32
        %get3A_213 = arith.constant 13 : i32
        %get3A_214 = arith.index_cast %get3A_213 : i32 to index
        %get3A_215 = arith.index_cast %mul3A_212 : i32 to index
        %get3A_216 = tpu.vector_load %arg6[%get3A_214, %get3A_215] {strides = array<i32>} : memref<16x2048xf32, #tpu.memory_space<vmem>>, vector<16xf32>,
        tpu.vector_store_idx %arg7[%broadcast_in_dim3A_29, %get3A_210], %get3A_216 : memref<16x2048xf32, #tpu.memory_space<vmem>>[vector<16xi32>, vector<16xi32>], vector<16xf32>,
        %mul3A_217 = arith.constant 16 : i32
        %mul3A_218 = arith.muli %scan3A_49, %mul3A_217 : i32
        %get3A_219 = arith.constant 14 : i32
        %get3A_220 = arith.index_cast %get3A_219 : i32 to index
        %get3A_221 = arith.index_cast %mul3A_218 : i32 to index
        %get3A_222 = tpu.vector_load %arg5[%get3A_220, %get3A_221] {strides = array<i32>} : memref<16x2048xi32, #tpu.memory_space<vmem>>, vector<16xi32>,
        %mul3A_223 = arith.constant 16 : i32
        %mul3A_224 = arith.muli %scan3A_49, %mul3A_223 : i32
        %get3A_225 = arith.constant 14 : i32
        %get3A_226 = arith.index_cast %get3A_225 : i32 to index
        %get3A_227 = arith.index_cast %mul3A_224 : i32 to index
        %get3A_228 = tpu.vector_load %arg6[%get3A_226, %get3A_227] {strides = array<i32>} : memref<16x2048xf32, #tpu.memory_space<vmem>>, vector<16xf32>,
        tpu.vector_store_idx %arg7[%broadcast_in_dim3A_31, %get3A_222], %get3A_228 : memref<16x2048xf32, #tpu.memory_space<vmem>>[vector<16xi32>, vector<16xi32>], vector<16xf32>,
        %mul3A_229 = arith.constant 16 : i32
        %mul3A_230 = arith.muli %scan3A_49, %mul3A_229 : i32
        %get3A_231 = arith.constant 15 : i32
        %get3A_232 = arith.index_cast %get3A_231 : i32 to index
        %get3A_233 = arith.index_cast %mul3A_230 : i32 to index
        %get3A_234 = tpu.vector_load %arg5[%get3A_232, %get3A_233] {strides = array<i32>} : memref<16x2048xi32, #tpu.memory_space<vmem>>, vector<16xi32>,
        %mul3A_235 = arith.constant 16 : i32
        %mul3A_236 = arith.muli %scan3A_49, %mul3A_235 : i32
        %get3A_237 = arith.constant 15 : i32
        %get3A_238 = arith.index_cast %get3A_237 : i32 to index
        %get3A_239 = arith.index_cast %mul3A_236 : i32 to index
        %get3A_240 = tpu.vector_load %arg6[%get3A_238, %get3A_239] {strides = array<i32>} : memref<16x2048xf32, #tpu.memory_space<vmem>>, vector<16xf32>,
        tpu.vector_store_idx %arg7[%broadcast_in_dim3A_33, %get3A_234], %get3A_240 : memref<16x2048xf32, #tpu.memory_space<vmem>>[vector<16xi32>, vector<16xi32>], vector<16xf32>,
      }
      %scan3A_48 = arith.constant 128 : i32
      "tpu.region"() ({
        %run_scoped3A = tpu.sem_alloc : memref<!tpu.dma_semaphore, #tpu.memory_space<semaphore_mem>>
        %dma_start3A = arith.constant 0 : i32
        %dma_start3A_49 = tpu.memref_slice %arg4[%add3A_42, %dma_start3A] : memref<12288x2048xf32, #tpu.memory_space<hbm>> -> memref<16x2048xf32, #tpu.memory_space<hbm>>
        %dma_start3A_50 = arith.constant 0 : i32
        %dma_start3A_51 = tpu.memref_slice %arg4[%add3A_42, %dma_start3A_50] : memref<12288x2048xf32, #tpu.memory_space<hbm>> -> memref<16x2048xf32, #tpu.memory_space<hbm>>
        tpu.enqueue_dma source(%arg7 : memref<16x2048xf32, #tpu.memory_space<vmem>>) target(%dma_start3A_51 : memref<16x2048xf32, #tpu.memory_space<hbm>>) target_semaphore(%run_scoped3A : memref<!tpu.dma_semaphore, #tpu.memory_space<semaphore_mem>>)
        %dma_wait3A = arith.constant 0 : i32
        %dma_wait3A_52 = tpu.memref_slice %arg4[%add3A_42, %dma_wait3A] : memref<12288x2048xf32, #tpu.memory_space<hbm>> -> memref<16x2048xf32, #tpu.memory_space<hbm>>
        %dma_wait3A_53 = arith.constant 0 : i32
        %dma_wait3A_54 = tpu.memref_slice %arg4[%add3A_42, %dma_wait3A_53] : memref<12288x2048xf32, #tpu.memory_space<hbm>> -> memref<16x2048xf32, #tpu.memory_space<hbm>>
        tpu.wait_dma2 semaphore(%run_scoped3A : memref<!tpu.dma_semaphore, #tpu.memory_space<semaphore_mem>>) src(%arg7 : memref<16x2048xf32, #tpu.memory_space<vmem>>) dst(%dma_wait3A_54 : memref<16x2048xf32, #tpu.memory_space<hbm>>)
        tpu.yield
      }) : () -> ()
    }
    %scan3A_38 = arith.constant 24 : i32
    return
  }
}

module attributes {stable_mosaic.version = 14 : i64} {
  func.func @_sort_kernel_body(%arg0: i32, %arg1: i32, %arg2: memref<48xi32, #tpu.memory_space<smem>>, %arg3: memref<1x256x2048xf32, #tpu.memory_space<vmem>>, %arg4: memref<1x256x2048xf32, #tpu.memory_space<vmem>>, %arg5: memref<1x256x2048xi32, #tpu.memory_space<vmem>>, %arg6: memref<1x256x2048xf32, #tpu.memory_space<vmem>>, %arg7: memref<2048x256xf32, #tpu.memory_space<vmem>>, %arg8: memref<2048x256xi32, #tpu.memory_space<vmem>>) attributes {dimension_semantics = [#tpu.dimension_semantics<arbitrary>, #tpu.dimension_semantics<arbitrary>], iteration_bounds = array<i64: 48, 1>, scalar_prefetch = 1 : i64, scratch_operands = 2 : i64, tpu.core_type = #tpu.core_type<tc>, window_params = [{transform_indices = @transform_0, window_bounds = array<i64: 1, 256, 2048>}, {transform_indices = @transform_1, window_bounds = array<i64: 1, 256, 2048>}, {transform_indices = @transform_2, window_bounds = array<i64: 1, 256, 2048>}, {transform_indices = @transform_3, window_bounds = array<i64: 1, 256, 2048>}]} {
    %get3A = arith.constant 0 : index
    %get3A_0 = arith.constant 0 : index
    %get3A_1 = arith.constant 0 : index
    %get3A_2 = vector.load %arg3[%get3A, %get3A_0, %get3A_1] : memref<1x256x2048xf32, #tpu.memory_space<vmem>>, vector<1x256x2048xf32>
    %get3A_3 = vector.shape_cast %get3A_2 : vector<1x256x2048xf32> to vector<256x2048xf32>
    %transpose3A = tpu.transpose %get3A_3, [1, 0] : vector<256x2048xf32> -> vector<2048x256xf32>
    %swap3A = arith.constant 0 : index
    %swap3A_4 = arith.constant 0 : index
    %swap3A_5 = vector.load %arg7[%swap3A, %swap3A_4] : memref<2048x256xf32, #tpu.memory_space<vmem>>, vector<2048x256xf32>
    tpu.vector_store %arg7[%swap3A, %swap3A_4], %transpose3A {strides = array<i32>} : memref<2048x256xf32, #tpu.memory_space<vmem>>, vector<2048x256xf32>,
    %iota3A = tpu.iota {dimensions = array<i32: 0>} : vector<2048x256xi32>
    %swap3A_6 = arith.constant 0 : index
    %swap3A_7 = arith.constant 0 : index
    %swap3A_8 = vector.load %arg8[%swap3A_6, %swap3A_7] : memref<2048x256xi32, #tpu.memory_space<vmem>>, vector<2048x256xi32>
    tpu.vector_store %arg8[%swap3A_6, %swap3A_7], %iota3A {strides = array<i32>} : memref<2048x256xi32, #tpu.memory_space<vmem>>, vector<2048x256xi32>,
    %iota3A_9 = tpu.iota {dimensions = array<i32: 0>} : vector<2048x1xi32>
    %scan3A = arith.constant 1 : i32
    %scan3A_10 = arith.constant 11 : i32
    %scan3A_11 = arith.addi %scan3A, %scan3A_10 : i32
    %scan3A_12 = arith.constant 1 : i32
    scf.for %scan3A_44 = %scan3A to %scan3A_11 step %scan3A_12  : i32 {
      %shift_left3A = arith.constant 1 : i32
      %shift_left3A_45 = arith.shli %shift_left3A, %scan3A_44 : i32
      %and3A = vector.broadcast %shift_left3A_45 : i32 to vector<2048x1xi32>
      %and3A_46 = arith.andi %iota3A_9, %and3A : vector<2048x1xi32>
      %ne3A = arith.constant 0 : i32
      %ne3A_47 = vector.broadcast %ne3A : i32 to vector<2048x1xi32>
      %ne3A_48 = arith.cmpi ne, %and3A_46, %ne3A_47 : vector<2048x1xi32>
      %gt3A = arith.constant 10 : i32
      %gt3A_49 = arith.cmpi sgt, %scan3A_44, %gt3A : i32
      %convert_element_type3A = arith.extui %gt3A_49 : i1 to i32
      %cond3A = arith.constant 0 : i32
      %cond3A_50 = arith.cmpi ne, %convert_element_type3A, %cond3A : i32
      scf.if %cond3A_50 {
        %get3A_101 = arith.constant 0 : index
        %get3A_102 = arith.constant 0 : index
        %get3A_103 = vector.load %arg7[%get3A_101, %get3A_102] : memref<2048x256xf32, #tpu.memory_space<vmem>>, vector<2048x256xf32>
        %get3A_104 = arith.constant 0 : index
        %get3A_105 = arith.constant 0 : index
        %get3A_106 = vector.load %arg8[%get3A_104, %get3A_105] : memref<2048x256xi32, #tpu.memory_space<vmem>>, vector<2048x256xi32>
        %reshape3A = vector.shape_cast %get3A_103 : vector<2048x256xf32> to vector<1x2x1024x256xf32>
        %slice3A = vector.extract_strided_slice %reshape3A {offsets = [0, 1, 0, 0], sizes = [1, 1, 1024, 256], strides = [1, 1, 1, 1]} : vector<1x2x1024x256xf32> to vector<1x1x1024x256xf32>
        %slice3A_107 = vector.extract_strided_slice %reshape3A {offsets = [0, 0, 0, 0], sizes = [1, 1, 1024, 256], strides = [1, 1, 1, 1]} : vector<1x2x1024x256xf32> to vector<1x1x1024x256xf32>
        %concatenate3A = tpu.concatenate %slice3A, %slice3A_107 in 1 : vector<1x1x1024x256xf32>, vector<1x1x1024x256xf32> -> vector<1x2x1024x256xf32>
        %reshape3A_108 = vector.shape_cast %concatenate3A : vector<1x2x1024x256xf32> to vector<2048x256xf32>
        %reshape3A_109 = vector.shape_cast %get3A_106 : vector<2048x256xi32> to vector<1x2x1024x256xi32>
        %slice3A_110 = vector.extract_strided_slice %reshape3A_109 {offsets = [0, 1, 0, 0], sizes = [1, 1, 1024, 256], strides = [1, 1, 1, 1]} : vector<1x2x1024x256xi32> to vector<1x1x1024x256xi32>
        %slice3A_111 = vector.extract_strided_slice %reshape3A_109 {offsets = [0, 0, 0, 0], sizes = [1, 1, 1024, 256], strides = [1, 1, 1, 1]} : vector<1x2x1024x256xi32> to vector<1x1x1024x256xi32>
        %concatenate3A_112 = tpu.concatenate %slice3A_110, %slice3A_111 in 1 : vector<1x1x1024x256xi32>, vector<1x1x1024x256xi32> -> vector<1x2x1024x256xi32>
        %reshape3A_113 = vector.shape_cast %concatenate3A_112 : vector<1x2x1024x256xi32> to vector<2048x256xi32>
        %and3A_114 = arith.constant 1024 : i32
        %and3A_115 = vector.broadcast %and3A_114 : i32 to vector<2048x1xi32>
        %and3A_116 = arith.andi %iota3A_9, %and3A_115 : vector<2048x1xi32>
        %eq3A = arith.constant 0 : i32
        %eq3A_117 = vector.broadcast %eq3A : i32 to vector<2048x1xi32>
        %eq3A_118 = arith.cmpi eq, %and3A_116, %eq3A_117 : vector<2048x1xi32>
        %xor3A = arith.xori %ne3A_48, %eq3A_118 : vector<2048x1xi1>
        %lt3A = arith.cmpf olt, %get3A_103, %reshape3A_108 : vector<2048x256xf32>
        %eq3A_119 = arith.cmpf oeq, %get3A_103, %reshape3A_108 : vector<2048x256xf32>
        %lt3A_120 = arith.cmpi slt, %get3A_106, %reshape3A_113 : vector<2048x256xi32>
        %and3A_121 = arith.andi %eq3A_119, %lt3A_120 : vector<2048x256xi1>
        %or3A = arith.ori %lt3A, %and3A_121 : vector<2048x256xi1>
        %xor3A_122 = vector.broadcast %xor3A : vector<2048x1xi1> to vector<2048x256xi1>
        %xor3A_123 = arith.xori %or3A, %xor3A_122 : vector<2048x256xi1>
        %select_n3A = arith.select %xor3A_123, %reshape3A_108, %get3A_103 : vector<2048x256xi1>, vector<2048x256xf32>
        %swap3A_124 = arith.constant 0 : index
        %swap3A_125 = arith.constant 0 : index
        %swap3A_126 = vector.load %arg7[%swap3A_124, %swap3A_125] : memref<2048x256xf32, #tpu.memory_space<vmem>>, vector<2048x256xf32>
        tpu.vector_store %arg7[%swap3A_124, %swap3A_125], %select_n3A {strides = array<i32>} : memref<2048x256xf32, #tpu.memory_space<vmem>>, vector<2048x256xf32>,
        %select_n3A_127 = arith.select %xor3A_123, %reshape3A_113, %get3A_106 : vector<2048x256xi1>, vector<2048x256xi32>
        %swap3A_128 = arith.constant 0 : index
        %swap3A_129 = arith.constant 0 : index
        %swap3A_130 = vector.load %arg8[%swap3A_128, %swap3A_129] : memref<2048x256xi32, #tpu.memory_space<vmem>>, vector<2048x256xi32>
        tpu.vector_store %arg8[%swap3A_128, %swap3A_129], %select_n3A_127 {strides = array<i32>} : memref<2048x256xi32, #tpu.memory_space<vmem>>, vector<2048x256xi32>,
      } else {
      }
      %gt3A_51 = arith.constant 9 : i32
      %gt3A_52 = arith.cmpi sgt, %scan3A_44, %gt3A_51 : i32
      %convert_element_type3A_53 = arith.extui %gt3A_52 : i1 to i32
      %cond3A_54 = arith.constant 0 : i32
      %cond3A_55 = arith.cmpi ne, %convert_element_type3A_53, %cond3A_54 : i32
      scf.if %cond3A_55 {
        %get3A_101 = arith.constant 0 : index
        %get3A_102 = arith.constant 0 : index
        %get3A_103 = vector.load %arg7[%get3A_101, %get3A_102] : memref<2048x256xf32, #tpu.memory_space<vmem>>, vector<2048x256xf32>
        %get3A_104 = arith.constant 0 : index
        %get3A_105 = arith.constant 0 : index
        %get3A_106 = vector.load %arg8[%get3A_104, %get3A_105] : memref<2048x256xi32, #tpu.memory_space<vmem>>, vector<2048x256xi32>
        %reshape3A = vector.shape_cast %get3A_103 : vector<2048x256xf32> to vector<2x2x512x256xf32>
        %slice3A = vector.extract_strided_slice %reshape3A {offsets = [0, 1, 0, 0], sizes = [2, 1, 512, 256], strides = [1, 1, 1, 1]} : vector<2x2x512x256xf32> to vector<2x1x512x256xf32>
        %slice3A_107 = vector.extract_strided_slice %reshape3A {offsets = [0, 0, 0, 0], sizes = [2, 1, 512, 256], strides = [1, 1, 1, 1]} : vector<2x2x512x256xf32> to vector<2x1x512x256xf32>
        %concatenate3A = tpu.concatenate %slice3A, %slice3A_107 in 1 : vector<2x1x512x256xf32>, vector<2x1x512x256xf32> -> vector<2x2x512x256xf32>
        %reshape3A_108 = vector.shape_cast %concatenate3A : vector<2x2x512x256xf32> to vector<2048x256xf32>
        %reshape3A_109 = vector.shape_cast %get3A_106 : vector<2048x256xi32> to vector<2x2x512x256xi32>
        %slice3A_110 = vector.extract_strided_slice %reshape3A_109 {offsets = [0, 1, 0, 0], sizes = [2, 1, 512, 256], strides = [1, 1, 1, 1]} : vector<2x2x512x256xi32> to vector<2x1x512x256xi32>
        %slice3A_111 = vector.extract_strided_slice %reshape3A_109 {offsets = [0, 0, 0, 0], sizes = [2, 1, 512, 256], strides = [1, 1, 1, 1]} : vector<2x2x512x256xi32> to vector<2x1x512x256xi32>
        %concatenate3A_112 = tpu.concatenate %slice3A_110, %slice3A_111 in 1 : vector<2x1x512x256xi32>, vector<2x1x512x256xi32> -> vector<2x2x512x256xi32>
        %reshape3A_113 = vector.shape_cast %concatenate3A_112 : vector<2x2x512x256xi32> to vector<2048x256xi32>
        %and3A_114 = arith.constant 512 : i32
        %and3A_115 = vector.broadcast %and3A_114 : i32 to vector<2048x1xi32>
        %and3A_116 = arith.andi %iota3A_9, %and3A_115 : vector<2048x1xi32>
        %eq3A = arith.constant 0 : i32
        %eq3A_117 = vector.broadcast %eq3A : i32 to vector<2048x1xi32>
        %eq3A_118 = arith.cmpi eq, %and3A_116, %eq3A_117 : vector<2048x1xi32>
        %xor3A = arith.xori %ne3A_48, %eq3A_118 : vector<2048x1xi1>
        %lt3A = arith.cmpf olt, %get3A_103, %reshape3A_108 : vector<2048x256xf32>
        %eq3A_119 = arith.cmpf oeq, %get3A_103, %reshape3A_108 : vector<2048x256xf32>
        %lt3A_120 = arith.cmpi slt, %get3A_106, %reshape3A_113 : vector<2048x256xi32>
        %and3A_121 = arith.andi %eq3A_119, %lt3A_120 : vector<2048x256xi1>
        %or3A = arith.ori %lt3A, %and3A_121 : vector<2048x256xi1>
        %xor3A_122 = vector.broadcast %xor3A : vector<2048x1xi1> to vector<2048x256xi1>
        %xor3A_123 = arith.xori %or3A, %xor3A_122 : vector<2048x256xi1>
        %select_n3A = arith.select %xor3A_123, %reshape3A_108, %get3A_103 : vector<2048x256xi1>, vector<2048x256xf32>
        %swap3A_124 = arith.constant 0 : index
        %swap3A_125 = arith.constant 0 : index
        %swap3A_126 = vector.load %arg7[%swap3A_124, %swap3A_125] : memref<2048x256xf32, #tpu.memory_space<vmem>>, vector<2048x256xf32>
        tpu.vector_store %arg7[%swap3A_124, %swap3A_125], %select_n3A {strides = array<i32>} : memref<2048x256xf32, #tpu.memory_space<vmem>>, vector<2048x256xf32>,
        %select_n3A_127 = arith.select %xor3A_123, %reshape3A_113, %get3A_106 : vector<2048x256xi1>, vector<2048x256xi32>
        %swap3A_128 = arith.constant 0 : index
        %swap3A_129 = arith.constant 0 : index
        %swap3A_130 = vector.load %arg8[%swap3A_128, %swap3A_129] : memref<2048x256xi32, #tpu.memory_space<vmem>>, vector<2048x256xi32>
        tpu.vector_store %arg8[%swap3A_128, %swap3A_129], %select_n3A_127 {strides = array<i32>} : memref<2048x256xi32, #tpu.memory_space<vmem>>, vector<2048x256xi32>,
      } else {
      }
      %gt3A_56 = arith.constant 8 : i32
      %gt3A_57 = arith.cmpi sgt, %scan3A_44, %gt3A_56 : i32
      %convert_element_type3A_58 = arith.extui %gt3A_57 : i1 to i32
      %cond3A_59 = arith.constant 0 : i32
      %cond3A_60 = arith.cmpi ne, %convert_element_type3A_58, %cond3A_59 : i32
      scf.if %cond3A_60 {
        %get3A_101 = arith.constant 0 : index
        %get3A_102 = arith.constant 0 : index
        %get3A_103 = vector.load %arg7[%get3A_101, %get3A_102] : memref<2048x256xf32, #tpu.memory_space<vmem>>, vector<2048x256xf32>
        %get3A_104 = arith.constant 0 : index
        %get3A_105 = arith.constant 0 : index
        %get3A_106 = vector.load %arg8[%get3A_104, %get3A_105] : memref<2048x256xi32, #tpu.memory_space<vmem>>, vector<2048x256xi32>
        %reshape3A = vector.shape_cast %get3A_103 : vector<2048x256xf32> to vector<4x2x256x256xf32>
        %slice3A = vector.extract_strided_slice %reshape3A {offsets = [0, 1, 0, 0], sizes = [4, 1, 256, 256], strides = [1, 1, 1, 1]} : vector<4x2x256x256xf32> to vector<4x1x256x256xf32>
        %slice3A_107 = vector.extract_strided_slice %reshape3A {offsets = [0, 0, 0, 0], sizes = [4, 1, 256, 256], strides = [1, 1, 1, 1]} : vector<4x2x256x256xf32> to vector<4x1x256x256xf32>
        %concatenate3A = tpu.concatenate %slice3A, %slice3A_107 in 1 : vector<4x1x256x256xf32>, vector<4x1x256x256xf32> -> vector<4x2x256x256xf32>
        %reshape3A_108 = vector.shape_cast %concatenate3A : vector<4x2x256x256xf32> to vector<2048x256xf32>
        %reshape3A_109 = vector.shape_cast %get3A_106 : vector<2048x256xi32> to vector<4x2x256x256xi32>
        %slice3A_110 = vector.extract_strided_slice %reshape3A_109 {offsets = [0, 1, 0, 0], sizes = [4, 1, 256, 256], strides = [1, 1, 1, 1]} : vector<4x2x256x256xi32> to vector<4x1x256x256xi32>
        %slice3A_111 = vector.extract_strided_slice %reshape3A_109 {offsets = [0, 0, 0, 0], sizes = [4, 1, 256, 256], strides = [1, 1, 1, 1]} : vector<4x2x256x256xi32> to vector<4x1x256x256xi32>
        %concatenate3A_112 = tpu.concatenate %slice3A_110, %slice3A_111 in 1 : vector<4x1x256x256xi32>, vector<4x1x256x256xi32> -> vector<4x2x256x256xi32>
        %reshape3A_113 = vector.shape_cast %concatenate3A_112 : vector<4x2x256x256xi32> to vector<2048x256xi32>
        %and3A_114 = arith.constant 256 : i32
        %and3A_115 = vector.broadcast %and3A_114 : i32 to vector<2048x1xi32>
        %and3A_116 = arith.andi %iota3A_9, %and3A_115 : vector<2048x1xi32>
        %eq3A = arith.constant 0 : i32
        %eq3A_117 = vector.broadcast %eq3A : i32 to vector<2048x1xi32>
        %eq3A_118 = arith.cmpi eq, %and3A_116, %eq3A_117 : vector<2048x1xi32>
        %xor3A = arith.xori %ne3A_48, %eq3A_118 : vector<2048x1xi1>
        %lt3A = arith.cmpf olt, %get3A_103, %reshape3A_108 : vector<2048x256xf32>
        %eq3A_119 = arith.cmpf oeq, %get3A_103, %reshape3A_108 : vector<2048x256xf32>
        %lt3A_120 = arith.cmpi slt, %get3A_106, %reshape3A_113 : vector<2048x256xi32>
        %and3A_121 = arith.andi %eq3A_119, %lt3A_120 : vector<2048x256xi1>
        %or3A = arith.ori %lt3A, %and3A_121 : vector<2048x256xi1>
        %xor3A_122 = vector.broadcast %xor3A : vector<2048x1xi1> to vector<2048x256xi1>
        %xor3A_123 = arith.xori %or3A, %xor3A_122 : vector<2048x256xi1>
        %select_n3A = arith.select %xor3A_123, %reshape3A_108, %get3A_103 : vector<2048x256xi1>, vector<2048x256xf32>
        %swap3A_124 = arith.constant 0 : index
        %swap3A_125 = arith.constant 0 : index
        %swap3A_126 = vector.load %arg7[%swap3A_124, %swap3A_125] : memref<2048x256xf32, #tpu.memory_space<vmem>>, vector<2048x256xf32>
        tpu.vector_store %arg7[%swap3A_124, %swap3A_125], %select_n3A {strides = array<i32>} : memref<2048x256xf32, #tpu.memory_space<vmem>>, vector<2048x256xf32>,
        %select_n3A_127 = arith.select %xor3A_123, %reshape3A_113, %get3A_106 : vector<2048x256xi1>, vector<2048x256xi32>
        %swap3A_128 = arith.constant 0 : index
        %swap3A_129 = arith.constant 0 : index
        %swap3A_130 = vector.load %arg8[%swap3A_128, %swap3A_129] : memref<2048x256xi32, #tpu.memory_space<vmem>>, vector<2048x256xi32>
        tpu.vector_store %arg8[%swap3A_128, %swap3A_129], %select_n3A_127 {strides = array<i32>} : memref<2048x256xi32, #tpu.memory_space<vmem>>, vector<2048x256xi32>,
      } else {
      }
      %gt3A_61 = arith.constant 7 : i32
      %gt3A_62 = arith.cmpi sgt, %scan3A_44, %gt3A_61 : i32
      %convert_element_type3A_63 = arith.extui %gt3A_62 : i1 to i32
      %cond3A_64 = arith.constant 0 : i32
      %cond3A_65 = arith.cmpi ne, %convert_element_type3A_63, %cond3A_64 : i32
      scf.if %cond3A_65 {
        %get3A_101 = arith.constant 0 : index
        %get3A_102 = arith.constant 0 : index
        %get3A_103 = vector.load %arg7[%get3A_101, %get3A_102] : memref<2048x256xf32, #tpu.memory_space<vmem>>, vector<2048x256xf32>
        %get3A_104 = arith.constant 0 : index
        %get3A_105 = arith.constant 0 : index
        %get3A_106 = vector.load %arg8[%get3A_104, %get3A_105] : memref<2048x256xi32, #tpu.memory_space<vmem>>, vector<2048x256xi32>
        %reshape3A = vector.shape_cast %get3A_103 : vector<2048x256xf32> to vector<8x2x128x256xf32>
        %slice3A = vector.extract_strided_slice %reshape3A {offsets = [0, 1, 0, 0], sizes = [8, 1, 128, 256], strides = [1, 1, 1, 1]} : vector<8x2x128x256xf32> to vector<8x1x128x256xf32>
        %slice3A_107 = vector.extract_strided_slice %reshape3A {offsets = [0, 0, 0, 0], sizes = [8, 1, 128, 256], strides = [1, 1, 1, 1]} : vector<8x2x128x256xf32> to vector<8x1x128x256xf32>
        %concatenate3A = tpu.concatenate %slice3A, %slice3A_107 in 1 : vector<8x1x128x256xf32>, vector<8x1x128x256xf32> -> vector<8x2x128x256xf32>
        %reshape3A_108 = vector.shape_cast %concatenate3A : vector<8x2x128x256xf32> to vector<2048x256xf32>
        %reshape3A_109 = vector.shape_cast %get3A_106 : vector<2048x256xi32> to vector<8x2x128x256xi32>
        %slice3A_110 = vector.extract_strided_slice %reshape3A_109 {offsets = [0, 1, 0, 0], sizes = [8, 1, 128, 256], strides = [1, 1, 1, 1]} : vector<8x2x128x256xi32> to vector<8x1x128x256xi32>
        %slice3A_111 = vector.extract_strided_slice %reshape3A_109 {offsets = [0, 0, 0, 0], sizes = [8, 1, 128, 256], strides = [1, 1, 1, 1]} : vector<8x2x128x256xi32> to vector<8x1x128x256xi32>
        %concatenate3A_112 = tpu.concatenate %slice3A_110, %slice3A_111 in 1 : vector<8x1x128x256xi32>, vector<8x1x128x256xi32> -> vector<8x2x128x256xi32>
        %reshape3A_113 = vector.shape_cast %concatenate3A_112 : vector<8x2x128x256xi32> to vector<2048x256xi32>
        %and3A_114 = arith.constant 128 : i32
        %and3A_115 = vector.broadcast %and3A_114 : i32 to vector<2048x1xi32>
        %and3A_116 = arith.andi %iota3A_9, %and3A_115 : vector<2048x1xi32>
        %eq3A = arith.constant 0 : i32
        %eq3A_117 = vector.broadcast %eq3A : i32 to vector<2048x1xi32>
        %eq3A_118 = arith.cmpi eq, %and3A_116, %eq3A_117 : vector<2048x1xi32>
        %xor3A = arith.xori %ne3A_48, %eq3A_118 : vector<2048x1xi1>
        %lt3A = arith.cmpf olt, %get3A_103, %reshape3A_108 : vector<2048x256xf32>
        %eq3A_119 = arith.cmpf oeq, %get3A_103, %reshape3A_108 : vector<2048x256xf32>
        %lt3A_120 = arith.cmpi slt, %get3A_106, %reshape3A_113 : vector<2048x256xi32>
        %and3A_121 = arith.andi %eq3A_119, %lt3A_120 : vector<2048x256xi1>
        %or3A = arith.ori %lt3A, %and3A_121 : vector<2048x256xi1>
        %xor3A_122 = vector.broadcast %xor3A : vector<2048x1xi1> to vector<2048x256xi1>
        %xor3A_123 = arith.xori %or3A, %xor3A_122 : vector<2048x256xi1>
        %select_n3A = arith.select %xor3A_123, %reshape3A_108, %get3A_103 : vector<2048x256xi1>, vector<2048x256xf32>
        %swap3A_124 = arith.constant 0 : index
        %swap3A_125 = arith.constant 0 : index
        %swap3A_126 = vector.load %arg7[%swap3A_124, %swap3A_125] : memref<2048x256xf32, #tpu.memory_space<vmem>>, vector<2048x256xf32>
        tpu.vector_store %arg7[%swap3A_124, %swap3A_125], %select_n3A {strides = array<i32>} : memref<2048x256xf32, #tpu.memory_space<vmem>>, vector<2048x256xf32>,
        %select_n3A_127 = arith.select %xor3A_123, %reshape3A_113, %get3A_106 : vector<2048x256xi1>, vector<2048x256xi32>
        %swap3A_128 = arith.constant 0 : index
        %swap3A_129 = arith.constant 0 : index
        %swap3A_130 = vector.load %arg8[%swap3A_128, %swap3A_129] : memref<2048x256xi32, #tpu.memory_space<vmem>>, vector<2048x256xi32>
        tpu.vector_store %arg8[%swap3A_128, %swap3A_129], %select_n3A_127 {strides = array<i32>} : memref<2048x256xi32, #tpu.memory_space<vmem>>, vector<2048x256xi32>,
      } else {
      }
      %gt3A_66 = arith.constant 6 : i32
      %gt3A_67 = arith.cmpi sgt, %scan3A_44, %gt3A_66 : i32
      %convert_element_type3A_68 = arith.extui %gt3A_67 : i1 to i32
      %cond3A_69 = arith.constant 0 : i32
      %cond3A_70 = arith.cmpi ne, %convert_element_type3A_68, %cond3A_69 : i32
      scf.if %cond3A_70 {
        %get3A_101 = arith.constant 0 : index
        %get3A_102 = arith.constant 0 : index
        %get3A_103 = vector.load %arg7[%get3A_101, %get3A_102] : memref<2048x256xf32, #tpu.memory_space<vmem>>, vector<2048x256xf32>
        %get3A_104 = arith.constant 0 : index
        %get3A_105 = arith.constant 0 : index
        %get3A_106 = vector.load %arg8[%get3A_104, %get3A_105] : memref<2048x256xi32, #tpu.memory_space<vmem>>, vector<2048x256xi32>
        %reshape3A = vector.shape_cast %get3A_103 : vector<2048x256xf32> to vector<16x2x64x256xf32>
        %slice3A = vector.extract_strided_slice %reshape3A {offsets = [0, 1, 0, 0], sizes = [16, 1, 64, 256], strides = [1, 1, 1, 1]} : vector<16x2x64x256xf32> to vector<16x1x64x256xf32>
        %slice3A_107 = vector.extract_strided_slice %reshape3A {offsets = [0, 0, 0, 0], sizes = [16, 1, 64, 256], strides = [1, 1, 1, 1]} : vector<16x2x64x256xf32> to vector<16x1x64x256xf32>
        %concatenate3A = tpu.concatenate %slice3A, %slice3A_107 in 1 : vector<16x1x64x256xf32>, vector<16x1x64x256xf32> -> vector<16x2x64x256xf32>
        %reshape3A_108 = vector.shape_cast %concatenate3A : vector<16x2x64x256xf32> to vector<2048x256xf32>
        %reshape3A_109 = vector.shape_cast %get3A_106 : vector<2048x256xi32> to vector<16x2x64x256xi32>
        %slice3A_110 = vector.extract_strided_slice %reshape3A_109 {offsets = [0, 1, 0, 0], sizes = [16, 1, 64, 256], strides = [1, 1, 1, 1]} : vector<16x2x64x256xi32> to vector<16x1x64x256xi32>
        %slice3A_111 = vector.extract_strided_slice %reshape3A_109 {offsets = [0, 0, 0, 0], sizes = [16, 1, 64, 256], strides = [1, 1, 1, 1]} : vector<16x2x64x256xi32> to vector<16x1x64x256xi32>
        %concatenate3A_112 = tpu.concatenate %slice3A_110, %slice3A_111 in 1 : vector<16x1x64x256xi32>, vector<16x1x64x256xi32> -> vector<16x2x64x256xi32>
        %reshape3A_113 = vector.shape_cast %concatenate3A_112 : vector<16x2x64x256xi32> to vector<2048x256xi32>
        %and3A_114 = arith.constant 64 : i32
        %and3A_115 = vector.broadcast %and3A_114 : i32 to vector<2048x1xi32>
        %and3A_116 = arith.andi %iota3A_9, %and3A_115 : vector<2048x1xi32>
        %eq3A = arith.constant 0 : i32
        %eq3A_117 = vector.broadcast %eq3A : i32 to vector<2048x1xi32>
        %eq3A_118 = arith.cmpi eq, %and3A_116, %eq3A_117 : vector<2048x1xi32>
        %xor3A = arith.xori %ne3A_48, %eq3A_118 : vector<2048x1xi1>
        %lt3A = arith.cmpf olt, %get3A_103, %reshape3A_108 : vector<2048x256xf32>
        %eq3A_119 = arith.cmpf oeq, %get3A_103, %reshape3A_108 : vector<2048x256xf32>
        %lt3A_120 = arith.cmpi slt, %get3A_106, %reshape3A_113 : vector<2048x256xi32>
        %and3A_121 = arith.andi %eq3A_119, %lt3A_120 : vector<2048x256xi1>
        %or3A = arith.ori %lt3A, %and3A_121 : vector<2048x256xi1>
        %xor3A_122 = vector.broadcast %xor3A : vector<2048x1xi1> to vector<2048x256xi1>
        %xor3A_123 = arith.xori %or3A, %xor3A_122 : vector<2048x256xi1>
        %select_n3A = arith.select %xor3A_123, %reshape3A_108, %get3A_103 : vector<2048x256xi1>, vector<2048x256xf32>
        %swap3A_124 = arith.constant 0 : index
        %swap3A_125 = arith.constant 0 : index
        %swap3A_126 = vector.load %arg7[%swap3A_124, %swap3A_125] : memref<2048x256xf32, #tpu.memory_space<vmem>>, vector<2048x256xf32>
        tpu.vector_store %arg7[%swap3A_124, %swap3A_125], %select_n3A {strides = array<i32>} : memref<2048x256xf32, #tpu.memory_space<vmem>>, vector<2048x256xf32>,
        %select_n3A_127 = arith.select %xor3A_123, %reshape3A_113, %get3A_106 : vector<2048x256xi1>, vector<2048x256xi32>
        %swap3A_128 = arith.constant 0 : index
        %swap3A_129 = arith.constant 0 : index
        %swap3A_130 = vector.load %arg8[%swap3A_128, %swap3A_129] : memref<2048x256xi32, #tpu.memory_space<vmem>>, vector<2048x256xi32>
        tpu.vector_store %arg8[%swap3A_128, %swap3A_129], %select_n3A_127 {strides = array<i32>} : memref<2048x256xi32, #tpu.memory_space<vmem>>, vector<2048x256xi32>,
      } else {
      }
      %gt3A_71 = arith.constant 5 : i32
      %gt3A_72 = arith.cmpi sgt, %scan3A_44, %gt3A_71 : i32
      %convert_element_type3A_73 = arith.extui %gt3A_72 : i1 to i32
      %cond3A_74 = arith.constant 0 : i32
      %cond3A_75 = arith.cmpi ne, %convert_element_type3A_73, %cond3A_74 : i32
      scf.if %cond3A_75 {
        %get3A_101 = arith.constant 0 : index
        %get3A_102 = arith.constant 0 : index
        %get3A_103 = vector.load %arg7[%get3A_101, %get3A_102] : memref<2048x256xf32, #tpu.memory_space<vmem>>, vector<2048x256xf32>
        %get3A_104 = arith.constant 0 : index
        %get3A_105 = arith.constant 0 : index
        %get3A_106 = vector.load %arg8[%get3A_104, %get3A_105] : memref<2048x256xi32, #tpu.memory_space<vmem>>, vector<2048x256xi32>
        %reshape3A = vector.shape_cast %get3A_103 : vector<2048x256xf32> to vector<32x2x32x256xf32>
        %slice3A = vector.extract_strided_slice %reshape3A {offsets = [0, 1, 0, 0], sizes = [32, 1, 32, 256], strides = [1, 1, 1, 1]} : vector<32x2x32x256xf32> to vector<32x1x32x256xf32>
        %slice3A_107 = vector.extract_strided_slice %reshape3A {offsets = [0, 0, 0, 0], sizes = [32, 1, 32, 256], strides = [1, 1, 1, 1]} : vector<32x2x32x256xf32> to vector<32x1x32x256xf32>
        %concatenate3A = tpu.concatenate %slice3A, %slice3A_107 in 1 : vector<32x1x32x256xf32>, vector<32x1x32x256xf32> -> vector<32x2x32x256xf32>
        %reshape3A_108 = vector.shape_cast %concatenate3A : vector<32x2x32x256xf32> to vector<2048x256xf32>
        %reshape3A_109 = vector.shape_cast %get3A_106 : vector<2048x256xi32> to vector<32x2x32x256xi32>
        %slice3A_110 = vector.extract_strided_slice %reshape3A_109 {offsets = [0, 1, 0, 0], sizes = [32, 1, 32, 256], strides = [1, 1, 1, 1]} : vector<32x2x32x256xi32> to vector<32x1x32x256xi32>
        %slice3A_111 = vector.extract_strided_slice %reshape3A_109 {offsets = [0, 0, 0, 0], sizes = [32, 1, 32, 256], strides = [1, 1, 1, 1]} : vector<32x2x32x256xi32> to vector<32x1x32x256xi32>
        %concatenate3A_112 = tpu.concatenate %slice3A_110, %slice3A_111 in 1 : vector<32x1x32x256xi32>, vector<32x1x32x256xi32> -> vector<32x2x32x256xi32>
        %reshape3A_113 = vector.shape_cast %concatenate3A_112 : vector<32x2x32x256xi32> to vector<2048x256xi32>
        %and3A_114 = arith.constant 32 : i32
        %and3A_115 = vector.broadcast %and3A_114 : i32 to vector<2048x1xi32>
        %and3A_116 = arith.andi %iota3A_9, %and3A_115 : vector<2048x1xi32>
        %eq3A = arith.constant 0 : i32
        %eq3A_117 = vector.broadcast %eq3A : i32 to vector<2048x1xi32>
        %eq3A_118 = arith.cmpi eq, %and3A_116, %eq3A_117 : vector<2048x1xi32>
        %xor3A = arith.xori %ne3A_48, %eq3A_118 : vector<2048x1xi1>
        %lt3A = arith.cmpf olt, %get3A_103, %reshape3A_108 : vector<2048x256xf32>
        %eq3A_119 = arith.cmpf oeq, %get3A_103, %reshape3A_108 : vector<2048x256xf32>
        %lt3A_120 = arith.cmpi slt, %get3A_106, %reshape3A_113 : vector<2048x256xi32>
        %and3A_121 = arith.andi %eq3A_119, %lt3A_120 : vector<2048x256xi1>
        %or3A = arith.ori %lt3A, %and3A_121 : vector<2048x256xi1>
        %xor3A_122 = vector.broadcast %xor3A : vector<2048x1xi1> to vector<2048x256xi1>
        %xor3A_123 = arith.xori %or3A, %xor3A_122 : vector<2048x256xi1>
        %select_n3A = arith.select %xor3A_123, %reshape3A_108, %get3A_103 : vector<2048x256xi1>, vector<2048x256xf32>
        %swap3A_124 = arith.constant 0 : index
        %swap3A_125 = arith.constant 0 : index
        %swap3A_126 = vector.load %arg7[%swap3A_124, %swap3A_125] : memref<2048x256xf32, #tpu.memory_space<vmem>>, vector<2048x256xf32>
        tpu.vector_store %arg7[%swap3A_124, %swap3A_125], %select_n3A {strides = array<i32>} : memref<2048x256xf32, #tpu.memory_space<vmem>>, vector<2048x256xf32>,
        %select_n3A_127 = arith.select %xor3A_123, %reshape3A_113, %get3A_106 : vector<2048x256xi1>, vector<2048x256xi32>
        %swap3A_128 = arith.constant 0 : index
        %swap3A_129 = arith.constant 0 : index
        %swap3A_130 = vector.load %arg8[%swap3A_128, %swap3A_129] : memref<2048x256xi32, #tpu.memory_space<vmem>>, vector<2048x256xi32>
        tpu.vector_store %arg8[%swap3A_128, %swap3A_129], %select_n3A_127 {strides = array<i32>} : memref<2048x256xi32, #tpu.memory_space<vmem>>, vector<2048x256xi32>,
      } else {
      }
      %gt3A_76 = arith.constant 4 : i32
      %gt3A_77 = arith.cmpi sgt, %scan3A_44, %gt3A_76 : i32
      %convert_element_type3A_78 = arith.extui %gt3A_77 : i1 to i32
      %cond3A_79 = arith.constant 0 : i32
      %cond3A_80 = arith.cmpi ne, %convert_element_type3A_78, %cond3A_79 : i32
      scf.if %cond3A_80 {
        %get3A_101 = arith.constant 0 : index
        %get3A_102 = arith.constant 0 : index
        %get3A_103 = vector.load %arg7[%get3A_101, %get3A_102] : memref<2048x256xf32, #tpu.memory_space<vmem>>, vector<2048x256xf32>
        %get3A_104 = arith.constant 0 : index
        %get3A_105 = arith.constant 0 : index
        %get3A_106 = vector.load %arg8[%get3A_104, %get3A_105] : memref<2048x256xi32, #tpu.memory_space<vmem>>, vector<2048x256xi32>
        %reshape3A = vector.shape_cast %get3A_103 : vector<2048x256xf32> to vector<64x2x16x256xf32>
        %slice3A = vector.extract_strided_slice %reshape3A {offsets = [0, 1, 0, 0], sizes = [64, 1, 16, 256], strides = [1, 1, 1, 1]} : vector<64x2x16x256xf32> to vector<64x1x16x256xf32>
        %slice3A_107 = vector.extract_strided_slice %reshape3A {offsets = [0, 0, 0, 0], sizes = [64, 1, 16, 256], strides = [1, 1, 1, 1]} : vector<64x2x16x256xf32> to vector<64x1x16x256xf32>
        %concatenate3A = tpu.concatenate %slice3A, %slice3A_107 in 1 : vector<64x1x16x256xf32>, vector<64x1x16x256xf32> -> vector<64x2x16x256xf32>
        %reshape3A_108 = vector.shape_cast %concatenate3A : vector<64x2x16x256xf32> to vector<2048x256xf32>
        %reshape3A_109 = vector.shape_cast %get3A_106 : vector<2048x256xi32> to vector<64x2x16x256xi32>
        %slice3A_110 = vector.extract_strided_slice %reshape3A_109 {offsets = [0, 1, 0, 0], sizes = [64, 1, 16, 256], strides = [1, 1, 1, 1]} : vector<64x2x16x256xi32> to vector<64x1x16x256xi32>
        %slice3A_111 = vector.extract_strided_slice %reshape3A_109 {offsets = [0, 0, 0, 0], sizes = [64, 1, 16, 256], strides = [1, 1, 1, 1]} : vector<64x2x16x256xi32> to vector<64x1x16x256xi32>
        %concatenate3A_112 = tpu.concatenate %slice3A_110, %slice3A_111 in 1 : vector<64x1x16x256xi32>, vector<64x1x16x256xi32> -> vector<64x2x16x256xi32>
        %reshape3A_113 = vector.shape_cast %concatenate3A_112 : vector<64x2x16x256xi32> to vector<2048x256xi32>
        %and3A_114 = arith.constant 16 : i32
        %and3A_115 = vector.broadcast %and3A_114 : i32 to vector<2048x1xi32>
        %and3A_116 = arith.andi %iota3A_9, %and3A_115 : vector<2048x1xi32>
        %eq3A = arith.constant 0 : i32
        %eq3A_117 = vector.broadcast %eq3A : i32 to vector<2048x1xi32>
        %eq3A_118 = arith.cmpi eq, %and3A_116, %eq3A_117 : vector<2048x1xi32>
        %xor3A = arith.xori %ne3A_48, %eq3A_118 : vector<2048x1xi1>
        %lt3A = arith.cmpf olt, %get3A_103, %reshape3A_108 : vector<2048x256xf32>
        %eq3A_119 = arith.cmpf oeq, %get3A_103, %reshape3A_108 : vector<2048x256xf32>
        %lt3A_120 = arith.cmpi slt, %get3A_106, %reshape3A_113 : vector<2048x256xi32>
        %and3A_121 = arith.andi %eq3A_119, %lt3A_120 : vector<2048x256xi1>
        %or3A = arith.ori %lt3A, %and3A_121 : vector<2048x256xi1>
        %xor3A_122 = vector.broadcast %xor3A : vector<2048x1xi1> to vector<2048x256xi1>
        %xor3A_123 = arith.xori %or3A, %xor3A_122 : vector<2048x256xi1>
        %select_n3A = arith.select %xor3A_123, %reshape3A_108, %get3A_103 : vector<2048x256xi1>, vector<2048x256xf32>
        %swap3A_124 = arith.constant 0 : index
        %swap3A_125 = arith.constant 0 : index
        %swap3A_126 = vector.load %arg7[%swap3A_124, %swap3A_125] : memref<2048x256xf32, #tpu.memory_space<vmem>>, vector<2048x256xf32>
        tpu.vector_store %arg7[%swap3A_124, %swap3A_125], %select_n3A {strides = array<i32>} : memref<2048x256xf32, #tpu.memory_space<vmem>>, vector<2048x256xf32>,
        %select_n3A_127 = arith.select %xor3A_123, %reshape3A_113, %get3A_106 : vector<2048x256xi1>, vector<2048x256xi32>
        %swap3A_128 = arith.constant 0 : index
        %swap3A_129 = arith.constant 0 : index
        %swap3A_130 = vector.load %arg8[%swap3A_128, %swap3A_129] : memref<2048x256xi32, #tpu.memory_space<vmem>>, vector<2048x256xi32>
        tpu.vector_store %arg8[%swap3A_128, %swap3A_129], %select_n3A_127 {strides = array<i32>} : memref<2048x256xi32, #tpu.memory_space<vmem>>, vector<2048x256xi32>,
      } else {
      }
      %gt3A_81 = arith.constant 3 : i32
      %gt3A_82 = arith.cmpi sgt, %scan3A_44, %gt3A_81 : i32
      %convert_element_type3A_83 = arith.extui %gt3A_82 : i1 to i32
      %cond3A_84 = arith.constant 0 : i32
      %cond3A_85 = arith.cmpi ne, %convert_element_type3A_83, %cond3A_84 : i32
      scf.if %cond3A_85 {
        %get3A_101 = arith.constant 0 : index
        %get3A_102 = arith.constant 0 : index
        %get3A_103 = vector.load %arg7[%get3A_101, %get3A_102] : memref<2048x256xf32, #tpu.memory_space<vmem>>, vector<2048x256xf32>
        %get3A_104 = arith.constant 0 : index
        %get3A_105 = arith.constant 0 : index
        %get3A_106 = vector.load %arg8[%get3A_104, %get3A_105] : memref<2048x256xi32, #tpu.memory_space<vmem>>, vector<2048x256xi32>
        %reshape3A = vector.shape_cast %get3A_103 : vector<2048x256xf32> to vector<128x2x8x256xf32>
        %slice3A = vector.extract_strided_slice %reshape3A {offsets = [0, 1, 0, 0], sizes = [128, 1, 8, 256], strides = [1, 1, 1, 1]} : vector<128x2x8x256xf32> to vector<128x1x8x256xf32>
        %slice3A_107 = vector.extract_strided_slice %reshape3A {offsets = [0, 0, 0, 0], sizes = [128, 1, 8, 256], strides = [1, 1, 1, 1]} : vector<128x2x8x256xf32> to vector<128x1x8x256xf32>
        %concatenate3A = tpu.concatenate %slice3A, %slice3A_107 in 1 : vector<128x1x8x256xf32>, vector<128x1x8x256xf32> -> vector<128x2x8x256xf32>
        %reshape3A_108 = vector.shape_cast %concatenate3A : vector<128x2x8x256xf32> to vector<2048x256xf32>
        %reshape3A_109 = vector.shape_cast %get3A_106 : vector<2048x256xi32> to vector<128x2x8x256xi32>
        %slice3A_110 = vector.extract_strided_slice %reshape3A_109 {offsets = [0, 1, 0, 0], sizes = [128, 1, 8, 256], strides = [1, 1, 1, 1]} : vector<128x2x8x256xi32> to vector<128x1x8x256xi32>
        %slice3A_111 = vector.extract_strided_slice %reshape3A_109 {offsets = [0, 0, 0, 0], sizes = [128, 1, 8, 256], strides = [1, 1, 1, 1]} : vector<128x2x8x256xi32> to vector<128x1x8x256xi32>
        %concatenate3A_112 = tpu.concatenate %slice3A_110, %slice3A_111 in 1 : vector<128x1x8x256xi32>, vector<128x1x8x256xi32> -> vector<128x2x8x256xi32>
        %reshape3A_113 = vector.shape_cast %concatenate3A_112 : vector<128x2x8x256xi32> to vector<2048x256xi32>
        %and3A_114 = arith.constant 8 : i32
        %and3A_115 = vector.broadcast %and3A_114 : i32 to vector<2048x1xi32>
        %and3A_116 = arith.andi %iota3A_9, %and3A_115 : vector<2048x1xi32>
        %eq3A = arith.constant 0 : i32
        %eq3A_117 = vector.broadcast %eq3A : i32 to vector<2048x1xi32>
        %eq3A_118 = arith.cmpi eq, %and3A_116, %eq3A_117 : vector<2048x1xi32>
        %xor3A = arith.xori %ne3A_48, %eq3A_118 : vector<2048x1xi1>
        %lt3A = arith.cmpf olt, %get3A_103, %reshape3A_108 : vector<2048x256xf32>
        %eq3A_119 = arith.cmpf oeq, %get3A_103, %reshape3A_108 : vector<2048x256xf32>
        %lt3A_120 = arith.cmpi slt, %get3A_106, %reshape3A_113 : vector<2048x256xi32>
        %and3A_121 = arith.andi %eq3A_119, %lt3A_120 : vector<2048x256xi1>
        %or3A = arith.ori %lt3A, %and3A_121 : vector<2048x256xi1>
        %xor3A_122 = vector.broadcast %xor3A : vector<2048x1xi1> to vector<2048x256xi1>
        %xor3A_123 = arith.xori %or3A, %xor3A_122 : vector<2048x256xi1>
        %select_n3A = arith.select %xor3A_123, %reshape3A_108, %get3A_103 : vector<2048x256xi1>, vector<2048x256xf32>
        %swap3A_124 = arith.constant 0 : index
        %swap3A_125 = arith.constant 0 : index
        %swap3A_126 = vector.load %arg7[%swap3A_124, %swap3A_125] : memref<2048x256xf32, #tpu.memory_space<vmem>>, vector<2048x256xf32>
        tpu.vector_store %arg7[%swap3A_124, %swap3A_125], %select_n3A {strides = array<i32>} : memref<2048x256xf32, #tpu.memory_space<vmem>>, vector<2048x256xf32>,
        %select_n3A_127 = arith.select %xor3A_123, %reshape3A_113, %get3A_106 : vector<2048x256xi1>, vector<2048x256xi32>
        %swap3A_128 = arith.constant 0 : index
        %swap3A_129 = arith.constant 0 : index
        %swap3A_130 = vector.load %arg8[%swap3A_128, %swap3A_129] : memref<2048x256xi32, #tpu.memory_space<vmem>>, vector<2048x256xi32>
        tpu.vector_store %arg8[%swap3A_128, %swap3A_129], %select_n3A_127 {strides = array<i32>} : memref<2048x256xi32, #tpu.memory_space<vmem>>, vector<2048x256xi32>,
      } else {
      }
      %gt3A_86 = arith.constant 2 : i32
      %gt3A_87 = arith.cmpi sgt, %scan3A_44, %gt3A_86 : i32
      %convert_element_type3A_88 = arith.extui %gt3A_87 : i1 to i32
      %cond3A_89 = arith.constant 0 : i32
      %cond3A_90 = arith.cmpi ne, %convert_element_type3A_88, %cond3A_89 : i32
      scf.if %cond3A_90 {
        %get3A_101 = arith.constant 0 : index
        %get3A_102 = arith.constant 0 : index
        %get3A_103 = vector.load %arg7[%get3A_101, %get3A_102] : memref<2048x256xf32, #tpu.memory_space<vmem>>, vector<2048x256xf32>
        %get3A_104 = arith.constant 0 : index
        %get3A_105 = arith.constant 0 : index
        %get3A_106 = vector.load %arg8[%get3A_104, %get3A_105] : memref<2048x256xi32, #tpu.memory_space<vmem>>, vector<2048x256xi32>
        %reshape3A = vector.shape_cast %get3A_103 : vector<2048x256xf32> to vector<256x2x4x256xf32>
        %slice3A = vector.extract_strided_slice %reshape3A {offsets = [0, 1, 0, 0], sizes = [256, 1, 4, 256], strides = [1, 1, 1, 1]} : vector<256x2x4x256xf32> to vector<256x1x4x256xf32>
        %slice3A_107 = vector.extract_strided_slice %reshape3A {offsets = [0, 0, 0, 0], sizes = [256, 1, 4, 256], strides = [1, 1, 1, 1]} : vector<256x2x4x256xf32> to vector<256x1x4x256xf32>
        %concatenate3A = tpu.concatenate %slice3A, %slice3A_107 in 1 : vector<256x1x4x256xf32>, vector<256x1x4x256xf32> -> vector<256x2x4x256xf32>
        %reshape3A_108 = vector.shape_cast %concatenate3A : vector<256x2x4x256xf32> to vector<2048x256xf32>
        %reshape3A_109 = vector.shape_cast %get3A_106 : vector<2048x256xi32> to vector<256x2x4x256xi32>
        %slice3A_110 = vector.extract_strided_slice %reshape3A_109 {offsets = [0, 1, 0, 0], sizes = [256, 1, 4, 256], strides = [1, 1, 1, 1]} : vector<256x2x4x256xi32> to vector<256x1x4x256xi32>
        %slice3A_111 = vector.extract_strided_slice %reshape3A_109 {offsets = [0, 0, 0, 0], sizes = [256, 1, 4, 256], strides = [1, 1, 1, 1]} : vector<256x2x4x256xi32> to vector<256x1x4x256xi32>
        %concatenate3A_112 = tpu.concatenate %slice3A_110, %slice3A_111 in 1 : vector<256x1x4x256xi32>, vector<256x1x4x256xi32> -> vector<256x2x4x256xi32>
        %reshape3A_113 = vector.shape_cast %concatenate3A_112 : vector<256x2x4x256xi32> to vector<2048x256xi32>
        %and3A_114 = arith.constant 4 : i32
        %and3A_115 = vector.broadcast %and3A_114 : i32 to vector<2048x1xi32>
        %and3A_116 = arith.andi %iota3A_9, %and3A_115 : vector<2048x1xi32>
        %eq3A = arith.constant 0 : i32
        %eq3A_117 = vector.broadcast %eq3A : i32 to vector<2048x1xi32>
        %eq3A_118 = arith.cmpi eq, %and3A_116, %eq3A_117 : vector<2048x1xi32>
        %xor3A = arith.xori %ne3A_48, %eq3A_118 : vector<2048x1xi1>
        %lt3A = arith.cmpf olt, %get3A_103, %reshape3A_108 : vector<2048x256xf32>
        %eq3A_119 = arith.cmpf oeq, %get3A_103, %reshape3A_108 : vector<2048x256xf32>
        %lt3A_120 = arith.cmpi slt, %get3A_106, %reshape3A_113 : vector<2048x256xi32>
        %and3A_121 = arith.andi %eq3A_119, %lt3A_120 : vector<2048x256xi1>
        %or3A = arith.ori %lt3A, %and3A_121 : vector<2048x256xi1>
        %xor3A_122 = vector.broadcast %xor3A : vector<2048x1xi1> to vector<2048x256xi1>
        %xor3A_123 = arith.xori %or3A, %xor3A_122 : vector<2048x256xi1>
        %select_n3A = arith.select %xor3A_123, %reshape3A_108, %get3A_103 : vector<2048x256xi1>, vector<2048x256xf32>
        %swap3A_124 = arith.constant 0 : index
        %swap3A_125 = arith.constant 0 : index
        %swap3A_126 = vector.load %arg7[%swap3A_124, %swap3A_125] : memref<2048x256xf32, #tpu.memory_space<vmem>>, vector<2048x256xf32>
        tpu.vector_store %arg7[%swap3A_124, %swap3A_125], %select_n3A {strides = array<i32>} : memref<2048x256xf32, #tpu.memory_space<vmem>>, vector<2048x256xf32>,
        %select_n3A_127 = arith.select %xor3A_123, %reshape3A_113, %get3A_106 : vector<2048x256xi1>, vector<2048x256xi32>
        %swap3A_128 = arith.constant 0 : index
        %swap3A_129 = arith.constant 0 : index
        %swap3A_130 = vector.load %arg8[%swap3A_128, %swap3A_129] : memref<2048x256xi32, #tpu.memory_space<vmem>>, vector<2048x256xi32>
        tpu.vector_store %arg8[%swap3A_128, %swap3A_129], %select_n3A_127 {strides = array<i32>} : memref<2048x256xi32, #tpu.memory_space<vmem>>, vector<2048x256xi32>,
      } else {
      }
      %gt3A_91 = arith.constant 1 : i32
      %gt3A_92 = arith.cmpi sgt, %scan3A_44, %gt3A_91 : i32
      %convert_element_type3A_93 = arith.extui %gt3A_92 : i1 to i32
      %cond3A_94 = arith.constant 0 : i32
      %cond3A_95 = arith.cmpi ne, %convert_element_type3A_93, %cond3A_94 : i32
      scf.if %cond3A_95 {
        %get3A_101 = arith.constant 0 : index
        %get3A_102 = arith.constant 0 : index
        %get3A_103 = vector.load %arg7[%get3A_101, %get3A_102] : memref<2048x256xf32, #tpu.memory_space<vmem>>, vector<2048x256xf32>
        %get3A_104 = arith.constant 0 : index
        %get3A_105 = arith.constant 0 : index
        %get3A_106 = vector.load %arg8[%get3A_104, %get3A_105] : memref<2048x256xi32, #tpu.memory_space<vmem>>, vector<2048x256xi32>
        %reshape3A = vector.shape_cast %get3A_103 : vector<2048x256xf32> to vector<512x2x2x256xf32>
        %slice3A = vector.extract_strided_slice %reshape3A {offsets = [0, 1, 0, 0], sizes = [512, 1, 2, 256], strides = [1, 1, 1, 1]} : vector<512x2x2x256xf32> to vector<512x1x2x256xf32>
        %slice3A_107 = vector.extract_strided_slice %reshape3A {offsets = [0, 0, 0, 0], sizes = [512, 1, 2, 256], strides = [1, 1, 1, 1]} : vector<512x2x2x256xf32> to vector<512x1x2x256xf32>
        %concatenate3A = tpu.concatenate %slice3A, %slice3A_107 in 1 : vector<512x1x2x256xf32>, vector<512x1x2x256xf32> -> vector<512x2x2x256xf32>
        %reshape3A_108 = vector.shape_cast %concatenate3A : vector<512x2x2x256xf32> to vector<2048x256xf32>
        %reshape3A_109 = vector.shape_cast %get3A_106 : vector<2048x256xi32> to vector<512x2x2x256xi32>
        %slice3A_110 = vector.extract_strided_slice %reshape3A_109 {offsets = [0, 1, 0, 0], sizes = [512, 1, 2, 256], strides = [1, 1, 1, 1]} : vector<512x2x2x256xi32> to vector<512x1x2x256xi32>
        %slice3A_111 = vector.extract_strided_slice %reshape3A_109 {offsets = [0, 0, 0, 0], sizes = [512, 1, 2, 256], strides = [1, 1, 1, 1]} : vector<512x2x2x256xi32> to vector<512x1x2x256xi32>
        %concatenate3A_112 = tpu.concatenate %slice3A_110, %slice3A_111 in 1 : vector<512x1x2x256xi32>, vector<512x1x2x256xi32> -> vector<512x2x2x256xi32>
        %reshape3A_113 = vector.shape_cast %concatenate3A_112 : vector<512x2x2x256xi32> to vector<2048x256xi32>
        %and3A_114 = arith.constant 2 : i32
        %and3A_115 = vector.broadcast %and3A_114 : i32 to vector<2048x1xi32>
        %and3A_116 = arith.andi %iota3A_9, %and3A_115 : vector<2048x1xi32>
        %eq3A = arith.constant 0 : i32
        %eq3A_117 = vector.broadcast %eq3A : i32 to vector<2048x1xi32>
        %eq3A_118 = arith.cmpi eq, %and3A_116, %eq3A_117 : vector<2048x1xi32>
        %xor3A = arith.xori %ne3A_48, %eq3A_118 : vector<2048x1xi1>
        %lt3A = arith.cmpf olt, %get3A_103, %reshape3A_108 : vector<2048x256xf32>
        %eq3A_119 = arith.cmpf oeq, %get3A_103, %reshape3A_108 : vector<2048x256xf32>
        %lt3A_120 = arith.cmpi slt, %get3A_106, %reshape3A_113 : vector<2048x256xi32>
        %and3A_121 = arith.andi %eq3A_119, %lt3A_120 : vector<2048x256xi1>
        %or3A = arith.ori %lt3A, %and3A_121 : vector<2048x256xi1>
        %xor3A_122 = vector.broadcast %xor3A : vector<2048x1xi1> to vector<2048x256xi1>
        %xor3A_123 = arith.xori %or3A, %xor3A_122 : vector<2048x256xi1>
        %select_n3A = arith.select %xor3A_123, %reshape3A_108, %get3A_103 : vector<2048x256xi1>, vector<2048x256xf32>
        %swap3A_124 = arith.constant 0 : index
        %swap3A_125 = arith.constant 0 : index
        %swap3A_126 = vector.load %arg7[%swap3A_124, %swap3A_125] : memref<2048x256xf32, #tpu.memory_space<vmem>>, vector<2048x256xf32>
        tpu.vector_store %arg7[%swap3A_124, %swap3A_125], %select_n3A {strides = array<i32>} : memref<2048x256xf32, #tpu.memory_space<vmem>>, vector<2048x256xf32>,
        %select_n3A_127 = arith.select %xor3A_123, %reshape3A_113, %get3A_106 : vector<2048x256xi1>, vector<2048x256xi32>
        %swap3A_128 = arith.constant 0 : index
        %swap3A_129 = arith.constant 0 : index
        %swap3A_130 = vector.load %arg8[%swap3A_128, %swap3A_129] : memref<2048x256xi32, #tpu.memory_space<vmem>>, vector<2048x256xi32>
        tpu.vector_store %arg8[%swap3A_128, %swap3A_129], %select_n3A_127 {strides = array<i32>} : memref<2048x256xi32, #tpu.memory_space<vmem>>, vector<2048x256xi32>,
      } else {
      }
      %gt3A_96 = arith.constant 0 : i32
      %gt3A_97 = arith.cmpi sgt, %scan3A_44, %gt3A_96 : i32
      %convert_element_type3A_98 = arith.extui %gt3A_97 : i1 to i32
      %cond3A_99 = arith.constant 0 : i32
      %cond3A_100 = arith.cmpi ne, %convert_element_type3A_98, %cond3A_99 : i32
      scf.if %cond3A_100 {
        %get3A_101 = arith.constant 0 : index
        %get3A_102 = arith.constant 0 : index
        %get3A_103 = vector.load %arg7[%get3A_101, %get3A_102] : memref<2048x256xf32, #tpu.memory_space<vmem>>, vector<2048x256xf32>
        %get3A_104 = arith.constant 0 : index
        %get3A_105 = arith.constant 0 : index
        %get3A_106 = vector.load %arg8[%get3A_104, %get3A_105] : memref<2048x256xi32, #tpu.memory_space<vmem>>, vector<2048x256xi32>
        %reshape3A = vector.shape_cast %get3A_103 : vector<2048x256xf32> to vector<1024x2x1x256xf32>
        %slice3A = vector.extract_strided_slice %reshape3A {offsets = [0, 1, 0, 0], sizes = [1024, 1, 1, 256], strides = [1, 1, 1, 1]} : vector<1024x2x1x256xf32> to vector<1024x1x1x256xf32>
        %slice3A_107 = vector.extract_strided_slice %reshape3A {offsets = [0, 0, 0, 0], sizes = [1024, 1, 1, 256], strides = [1, 1, 1, 1]} : vector<1024x2x1x256xf32> to vector<1024x1x1x256xf32>
        %concatenate3A = tpu.concatenate %slice3A, %slice3A_107 in 1 : vector<1024x1x1x256xf32>, vector<1024x1x1x256xf32> -> vector<1024x2x1x256xf32>
        %reshape3A_108 = vector.shape_cast %concatenate3A : vector<1024x2x1x256xf32> to vector<2048x256xf32>
        %reshape3A_109 = vector.shape_cast %get3A_106 : vector<2048x256xi32> to vector<1024x2x1x256xi32>
        %slice3A_110 = vector.extract_strided_slice %reshape3A_109 {offsets = [0, 1, 0, 0], sizes = [1024, 1, 1, 256], strides = [1, 1, 1, 1]} : vector<1024x2x1x256xi32> to vector<1024x1x1x256xi32>
        %slice3A_111 = vector.extract_strided_slice %reshape3A_109 {offsets = [0, 0, 0, 0], sizes = [1024, 1, 1, 256], strides = [1, 1, 1, 1]} : vector<1024x2x1x256xi32> to vector<1024x1x1x256xi32>
        %concatenate3A_112 = tpu.concatenate %slice3A_110, %slice3A_111 in 1 : vector<1024x1x1x256xi32>, vector<1024x1x1x256xi32> -> vector<1024x2x1x256xi32>
        %reshape3A_113 = vector.shape_cast %concatenate3A_112 : vector<1024x2x1x256xi32> to vector<2048x256xi32>
        %and3A_114 = arith.constant 1 : i32
        %and3A_115 = vector.broadcast %and3A_114 : i32 to vector<2048x1xi32>
        %and3A_116 = arith.andi %iota3A_9, %and3A_115 : vector<2048x1xi32>
        %eq3A = arith.constant 0 : i32
        %eq3A_117 = vector.broadcast %eq3A : i32 to vector<2048x1xi32>
        %eq3A_118 = arith.cmpi eq, %and3A_116, %eq3A_117 : vector<2048x1xi32>
        %xor3A = arith.xori %ne3A_48, %eq3A_118 : vector<2048x1xi1>
        %lt3A = arith.cmpf olt, %get3A_103, %reshape3A_108 : vector<2048x256xf32>
        %eq3A_119 = arith.cmpf oeq, %get3A_103, %reshape3A_108 : vector<2048x256xf32>
        %lt3A_120 = arith.cmpi slt, %get3A_106, %reshape3A_113 : vector<2048x256xi32>
        %and3A_121 = arith.andi %eq3A_119, %lt3A_120 : vector<2048x256xi1>
        %or3A = arith.ori %lt3A, %and3A_121 : vector<2048x256xi1>
        %xor3A_122 = vector.broadcast %xor3A : vector<2048x1xi1> to vector<2048x256xi1>
        %xor3A_123 = arith.xori %or3A, %xor3A_122 : vector<2048x256xi1>
        %select_n3A = arith.select %xor3A_123, %reshape3A_108, %get3A_103 : vector<2048x256xi1>, vector<2048x256xf32>
        %swap3A_124 = arith.constant 0 : index
        %swap3A_125 = arith.constant 0 : index
        %swap3A_126 = vector.load %arg7[%swap3A_124, %swap3A_125] : memref<2048x256xf32, #tpu.memory_space<vmem>>, vector<2048x256xf32>
        tpu.vector_store %arg7[%swap3A_124, %swap3A_125], %select_n3A {strides = array<i32>} : memref<2048x256xf32, #tpu.memory_space<vmem>>, vector<2048x256xf32>,
        %select_n3A_127 = arith.select %xor3A_123, %reshape3A_113, %get3A_106 : vector<2048x256xi1>, vector<2048x256xi32>
        %swap3A_128 = arith.constant 0 : index
        %swap3A_129 = arith.constant 0 : index
        %swap3A_130 = vector.load %arg8[%swap3A_128, %swap3A_129] : memref<2048x256xi32, #tpu.memory_space<vmem>>, vector<2048x256xi32>
        tpu.vector_store %arg8[%swap3A_128, %swap3A_129], %select_n3A_127 {strides = array<i32>} : memref<2048x256xi32, #tpu.memory_space<vmem>>, vector<2048x256xi32>,
      } else {
      }
    }
    %scan3A_13 = arith.constant 11 : i32
    %get3A_14 = arith.constant 0 : index
    %get3A_15 = arith.constant 0 : index
    %get3A_16 = vector.load %arg8[%get3A_14, %get3A_15] : memref<2048x256xi32, #tpu.memory_space<vmem>>, vector<2048x256xi32>
    %transpose3A_17 = tpu.transpose %get3A_16, [1, 0] : vector<2048x256xi32> -> vector<256x2048xi32>
    %swap3A_18 = arith.constant 0 : index
    %swap3A_19 = arith.constant 0 : index
    %swap3A_20 = arith.constant 0 : index
    %swap3A_21 = vector.load %arg5[%swap3A_18, %swap3A_19, %swap3A_20] : memref<1x256x2048xi32, #tpu.memory_space<vmem>>, vector<1x256x2048xi32>
    %swap3A_22 = vector.shape_cast %swap3A_21 : vector<1x256x2048xi32> to vector<256x2048xi32>
    %swap3A_23 = vector.shape_cast %transpose3A_17 : vector<256x2048xi32> to vector<1x256x2048xi32>
    tpu.vector_store %arg5[%swap3A_18, %swap3A_19, %swap3A_20], %swap3A_23 {strides = array<i32>} : memref<1x256x2048xi32, #tpu.memory_space<vmem>>, vector<1x256x2048xi32>,
    %get3A_24 = arith.constant 0 : index
    %get3A_25 = arith.constant 0 : index
    %get3A_26 = arith.constant 0 : index
    %get3A_27 = vector.load %arg4[%get3A_24, %get3A_25, %get3A_26] : memref<1x256x2048xf32, #tpu.memory_space<vmem>>, vector<1x256x2048xf32>
    %get3A_28 = vector.shape_cast %get3A_27 : vector<1x256x2048xf32> to vector<256x2048xf32>
    %mul3A = arith.constant 0.899999976 : f32
    %mul3A_29 = vector.broadcast %mul3A : f32 to vector<256x2048xf32>
    %mul3A_30 = arith.mulf %mul3A_29, %get3A_28 : vector<256x2048xf32>
    %get3A_31 = arith.constant 0 : index
    %get3A_32 = arith.constant 0 : index
    %get3A_33 = vector.load %arg7[%get3A_31, %get3A_32] : memref<2048x256xf32, #tpu.memory_space<vmem>>, vector<2048x256xf32>
    %transpose3A_34 = tpu.transpose %get3A_33, [1, 0] : vector<2048x256xf32> -> vector<256x2048xf32>
    %mul3A_35 = arith.constant 1.000000e-01 : f32
    %mul3A_36 = vector.broadcast %mul3A_35 : f32 to vector<256x2048xf32>
    %mul3A_37 = arith.mulf %mul3A_36, %transpose3A_34 : vector<256x2048xf32>
    %add3A = arith.addf %mul3A_30, %mul3A_37 : vector<256x2048xf32>
    %swap3A_38 = arith.constant 0 : index
    %swap3A_39 = arith.constant 0 : index
    %swap3A_40 = arith.constant 0 : index
    %swap3A_41 = vector.load %arg6[%swap3A_38, %swap3A_39, %swap3A_40] : memref<1x256x2048xf32, #tpu.memory_space<vmem>>, vector<1x256x2048xf32>
    %swap3A_42 = vector.shape_cast %swap3A_41 : vector<1x256x2048xf32> to vector<256x2048xf32>
    %swap3A_43 = vector.shape_cast %add3A : vector<256x2048xf32> to vector<1x256x2048xf32>
    tpu.vector_store %arg6[%swap3A_38, %swap3A_39, %swap3A_40], %swap3A_43 {strides = array<i32>} : memref<1x256x2048xf32, #tpu.memory_space<vmem>>, vector<1x256x2048xf32>,
    return
  }
  func.func @transform_0(%arg0: i32, %arg1: i32, %arg2: memref<48xi32, #tpu.memory_space<smem>>) -> (i32, i32, i32) {
    %c0_i32 = arith.constant 0 : i32
    %c0_i32_0 = arith.constant 0 : i32
    return %arg0, %arg1, %c0_i32 : i32, i32, i32
  }
  func.func @transform_1(%arg0: i32, %arg1: i32, %arg2: memref<48xi32, #tpu.memory_space<smem>>) -> (i32, i32, i32) {
    %get3A = arith.index_cast %arg0 : i32 to index
    %get3A_0 = memref.load %arg2[%get3A] : memref<48xi32, #tpu.memory_space<smem>>
    %c0_i32 = arith.constant 0 : i32
    %c0_i32_1 = arith.constant 0 : i32
    return %get3A_0, %arg1, %c0_i32 : i32, i32, i32
  }
  func.func @transform_2(%arg0: i32, %arg1: i32, %arg2: memref<48xi32, #tpu.memory_space<smem>>) -> (i32, i32, i32) {
    %c0_i32 = arith.constant 0 : i32
    %c0_i32_0 = arith.constant 0 : i32
    return %arg0, %arg1, %c0_i32 : i32, i32, i32
  }
  func.func @transform_3(%arg0: i32, %arg1: i32, %arg2: memref<48xi32, #tpu.memory_space<smem>>) -> (i32, i32, i32) {
    %get3A = arith.index_cast %arg0 : i32 to index
    %get3A_0 = memref.load %arg2[%get3A] : memref<48xi32, #tpu.memory_space<smem>>
    %c0_i32 = arith.constant 0 : i32
    %c0_i32_1 = arith.constant 0 : i32
    return %get3A_0, %arg1, %c0_i32 : i32, i32, i32
  }
}

</mosaic_0001>

<sc_bundles>
// kernel: kernel.4.cloned.1.call-start
scs
__scs_entry_jumppad:
0x0: {  	(pc) =	sbr.rel $0x88, $3  }
0x1: {  	(tag) =	ssettag $0x0;
	lr =	simm.s32 $0x1  }
0x2: {  	[smem:$0x3F9F] =	sst lr;
	_ =	strace $0xD0000000  }
0x3: {  	_ = 	snop  }
0x4: {  	_ = 	snop  }
0x5: {  	_ = 	snop  }
0x6: {  	_ = 	snop  }
0x7: {  	_ = 	snop  }
__scs_overlays_trampoline_lowered:
0x8: {  	[smem:$0x3FAE] =	sst s0  }
0x9: {  	[smem:$0x3FAF] =	sst s1  }
0xa: {  	[smem:$0x3FB0] =	sst s2  }
0xb: {  	[smem:$0x3FB1] =	sst s3  }
0xc: {  	[smem:$0x3FB2] =	sst s4  }
0xd: {  	[smem:$0x3FB3] =	sst s5  }
0xe: {  	[smem:$0x3FB4] =	sst s6  }
0xf: {  	[smem:$0x3FB5] =	sst s7  }
0x10: {  	[smem:$0x3FB6] =	sst s8  }
0x11: {  	[smem:$0x3FB7] =	sst s9;
	s0 =	simm.s32 @!p0 $0x0  }
0x12: {  	s1 =	sld [smem:$0x3F9D];
	s0 =	simm.s32 @p0 $0x1  }
0x13: {  	[smem:$0x3FB8] =	sst s0;
	s0 =	simm.s32 @!p1 $0x0  }
0x14: {  	s2 =	sld [smem:$0x3F9C];
	s0 =	simm.s32 @p1 $0x1  }
0x15: {  	[smem:$0x3FB9] =	sst s0;
	s0 =	simm.s32 @!p2 $0x0  }
0x16: {  	s3 =	sld [smem:$0x3FDB];
	s0 =	simm.s32 @p2 $0x1  }
0x17: {  	s4 =	simm.s32 $0x1BF5;
	[smem:$0x3FBB] =	sst s0  }
0x18: {  	s0 =	sld [smem:$0x3F9E];
	_ =	swait.ge [sflag:s4], $0x0  }
0x19: {  	s7 =	sld [smem:$0x3F9F]  }
0x1a: {  	s8 =	sadd.s32 $0xFFFFE003, lr  }
0x1b: {  	s9 =	sadd.s32 $0xFFFFFEF7, lr;
	s5 =	simm.s32 $0xFFFFFFFF;
	p2 =	slt.u32 s8, $0xFFFFF086  }
0x1c: {  	p1 =	slt.u32 s9, $0xF7A;
	s5 =	simm.s32 @!p2 $0x0  }
0x1d: {  	s5 =	simm.s32 @p1 $0x1;
	p0 =	seq.s32 s7, s2  }
0x1e: {  	s7 =	smul.u32 @!p0 $0xF7A, s2;
	p2 =	seq.s32 @!p0 s5, $0x0  }
0x1f: {  	s9 =	smul.u32 $0xF7A, s1;
	s8 =	simm.s32 @!p0 $0x1BF5;
	p2 =	por !p2, p0  }
0x20: {  	[sflag:s8] =	ssyncset.s32 @!p0 $0xFFFFF086;
	s6 =	sadd.s32 @!p0 s3, s7;
	s7 =	simm.s32 @!p0 $0x108  }
0x21: {  	s3 =	sadd.s32 s3, s9;
	s6 =	sadd.s32 @!p0 $0x88, s6;
	s7 =	simm.s32 @p2 $0x1082  }
0x22: {  	[simem:s7], [sflag:s8] =	dma.local @!p0 [hbm:s6], $0xF7A  }
0x23: {  	s9 =	sor.u32 $0xD0000000, s2;
	s6 =	simm.s32 $0x108;
	_ =	swait.ge @!p0 [sflag:s8], $0x0  }
0x24: {  	s3 =	sadd.s32 $0x88, s3;
	s6 =	simm.s32 @!p1 $0x1082;
	[sflag:s4] =	ssyncset.s32 $0xFFFFF086  }
0x25: {  	[simem:s6], [sflag:s4] =	dma.local [hbm:s3], $0xF7A  }
0x26: {  	[smem:$0x3F9F] =	sst s1;
	(tag) =	ssettag s2;
	_ =	strace s9  }
0x27: {  	s1 =	sld [smem:$0x3FAF]  }
0x28: {  	s2 =	sld [smem:$0x3FB0]  }
0x29: {  	s4 =	sld [smem:$0x3FB2]  }
0x2a: {  	p0 =	seq.s32 s5, $0x0;
	s5 =	sld [smem:$0x3FB3]  }
0x2b: {  	s6 =	sld [smem:$0x3FB4]  }
0x2c: {  	s7 =	sld [smem:$0x3FB5]  }
0x2d: {  	s3 =	simm.s32 $0x108;
	s8 =	sld [smem:$0x3FB6]  }
0x2e: {  	s3 =	simm.s32 @!p0 $0x1082;
	s9 =	sld [smem:$0x3FB7]  }
0x2f: {  	lr =	sadd.s32 s0, s3;
	s0 =	sld [smem:$0x3FAE]  }
0x30: {  	s3 =	sld [smem:$0x3FB1]  }
0x31: {  	[smem:$0x3FBA] =	sst s10  }
0x32: {  	s10 =	sld [smem:$0x3FB8];
	_ =	sdelay $0x3  }
0x33: {  	p0 =	seq.s32 s10, $0x1;
	s10 =	sld [smem:$0x3FBA];
	_ =	sdelay $0x3  }
0x34: {  	[smem:$0x3FBA] =	sst s10  }
0x35: {  	s10 =	sld [smem:$0x3FB9];
	_ =	sdelay $0x3  }
0x36: {  	p1 =	seq.s32 s10, $0x1;
	s10 =	sld [smem:$0x3FBA];
	_ =	sdelay $0x3  }
0x37: {  	[smem:$0x3FBA] =	sst s10  }
0x38: {  	s10 =	sld [smem:$0x3FBB]  }
0x39: {  	_ = 	snop;
	(pc) =	sbr.ind lr, $3  }
0x3a: {  	_ = 	snop  }
0x3b: {  	_ = 	snop  }
0x3c: {  	p2 =	seq.s32 s10, $0x1;
	s10 =	sld [smem:$0x3FBA]  }
0x3d: {  	_ =	shalt  }
0x3e: {  	_ =	shalt  }
0x3f: {  	_ =	shalt  }
0x40: {  	_ =	shalt  }
0x41: {  	_ =	shalt  }
0x42: {  	_ =	shalt  }
0x43: {  	_ =	shalt  }
0x44: {  	_ =	shalt  }
0x45: {  	_ =	shalt  }
0x46: {  	_ =	shalt  }
0x47: {  	_ =	shalt  }
0x48: {  	_ =	shalt  }
0x49: {  	_ =	shalt  }
0x4a: {  	_ =	shalt  }
0x4b: {  	_ =	shalt  }
0x4c: {  	_ =	shalt  }
0x4d: {  	_ =	shalt  }
0x4e: {  	_ =	shalt  }
0x4f: {  	_ =	shalt  }
0x50: {  	_ =	shalt  }
0x51: {  	_ =	shalt  }
0x52: {  	_ =	shalt  }
0x53: {  	_ =	shalt  }
0x54: {  	_ =	shalt  }
0x55: {  	_ =	shalt  }
0x56: {  	_ =	shalt  }
0x57: {  	_ =	shalt  }
0x58: {  	_ =	shalt  }
0x59: {  	_ =	shalt  }
0x5a: {  	_ =	shalt  }
0x5b: {  	_ =	shalt  }
0x5c: {  	_ =	shalt  }
0x5d: {  	_ =	shalt  }
0x5e: {  	_ =	shalt  }
0x5f: {  	_ =	shalt  }
0x60: {  	_ =	shalt  }
0x61: {  	_ =	shalt  }
0x62: {  	_ =	shalt  }
0x63: {  	_ =	shalt  }
0x64: {  	_ =	shalt  }
0x65: {  	_ =	shalt  }
0x66: {  	_ =	shalt  }
0x67: {  	_ =	shalt  }
0x68: {  	_ =	shalt  }
0x69: {  	_ =	shalt  }
0x6a: {  	_ =	shalt  }
0x6b: {  	_ =	shalt  }
0x6c: {  	_ =	shalt  }
0x6d: {  	_ =	shalt  }
0x6e: {  	_ =	shalt  }
0x6f: {  	_ =	shalt  }
0x70: {  	_ =	shalt  }
0x71: {  	_ =	shalt  }
0x72: {  	_ =	shalt  }
0x73: {  	_ =	shalt  }
0x74: {  	_ =	shalt  }
0x75: {  	_ =	shalt  }
0x76: {  	_ =	shalt  }
0x77: {  	_ =	shalt  }
0x78: {  	_ =	shalt  }
0x79: {  	_ =	shalt  }
0x7a: {  	_ =	shalt  }
0x7b: {  	_ =	shalt  }
0x7c: {  	_ =	shalt  }
0x7d: {  	_ =	shalt  }
0x7e: {  	_ =	shalt  }
0x7f: {  	_ =	shalt  }
0x80: {  	_ =	shalt  }
0x81: {  	_ =	shalt  }
0x82: {  	_ =	shalt  }
0x83: {  	_ =	shalt  }
0x84: {  	_ =	shalt  }
0x85: {  	_ =	shalt  }
0x86: {  	_ =	shalt  }
0x87: {  	_ =	shalt  }
.Lfunc_end0:
.L_simem_size_0:
called_computation.1_lowered:
.L_overlay_start_0:
0x88: {  	s2 =	sld [smem:$0x3FD9]  }
0x89: {  	s3 =	sld [smem:$0x3FFE];
	_ =	sdelay $0x1  }
0x8a: {  	s1 =	srdreg.scid  }
0x8b: {  	s0 =	sand.u32 $0x1, s1  }
0x8c: {  	s17 =	sshll.u32 s0, $0xA;
	s2 =	sadd.s32 s3, s2  }
0x8d: {  	s2 =	sadd.s32 s2, s17  }
0x8e: {  	[smem:$0x3FC6] =	sst s2  }
0x8f: {  	_ = 	snop  }
0x90: {  	s2 =	sld [smem:$0x3FD0];
	(tm) =	ssettm $0x1  }
0x91: {  	s18 =	sld [smem:$0x3FFB];
	_ =	sdelay $0x3  }
0x92: {  	_ =	strace s18  }
0x93: {  	s3 =	sld [smem:$0x3FFC];
	_ =	sdelay $0x3  }
0x94: {  	_ =	strace s3  }
0x95: {  	s3 =	sld [smem:$0x3FFD];
	_ =	sdelay $0x3  }
0x96: {  	_ =	strace s3  }
0x97: {  	_ =	strace $0x8FFFFFFF  }
0x98: {  	s19 =	sld [smem:$0x3FDB];
	_ =	sdelay $0x1  }
0x99: {  	s4 =	simm.s32 $_scs_section_size  }
0x9a: {  	s5 =	simm.s32 $_size__tile_overlayer_lowered;
	s6 =	simm.s32 $_tile_overlayer_lowered  }
0x9b: {  	s22 =	simm.s32 $0x1BFF;
	s21 =	sshll.u32 s6, $0x1;
	s3 =	sadd.s32 s4, s19  }
0x9c: {  	s7 =	simm.s32 $0x0;
	s20 =	sshll.u32 s5, $0x1;
	s5 =	sadd.s32 s21, s3  }
0x9d: {  	[timem:s7], [sflag:s22] =	dma.local [hbm:s5], s20  }
0x9e: {  	_ =	swait.ge [sflag:s22], s20  }
0x9f: {  	s4 =	ssub.s32 $0x0, s20;
	[sflag:s22] =	ssyncset.done $0x0  }
0xa0: {  	[sflag:s22] =	ssyncadd.s32 s4;
	_ =	sdelay $0x1  }
0xa1: {  	s23 =	simm.s32 $0x1B8B  }
0xa2: {  	_ =	swait.ge [sflag:s23], $0x1  }
0xa3: {  	[sflag:s23] =	ssyncset.done $0x0  }
0xa4: {  	s25 =	simm.s32 $0x1B8E;
	s24 =	sld [smem:$0x3FFE];
	[sflag:s23] =	ssyncadd.s32 $0xFFFFFFFF  }
0xa5: {  	s26 =	simm.s32 $execute0_lowered;
	[smem:$0x3FD2] =	sst s25  }
0xa6: {  	s5 =	sshll.u32 s26, $0x1;
	_ =	strace $0x80000046;
	[dreg:$0x1] =	wrdreg $0xFFFFFFFF  }
0xa7: {  	s28 =	simm.s32 $_size_execute0_lowered;
	s3 =	sadd.s32 s3, s5;
	[dreg:$0x0] =	wrdreg $0x0  }
0xa8: {  	s5 =	sshll.u32 s28, $0x1;
	[dreg:$0x2] =	wrdreg s3  }
0xa9: {  	[dreg:$0x3] =	wrdreg s5  }
0xaa: {  	[dreg:$0x4] =	wrdreg $0xC0  }
0xab: {  	_ =	task [dreg:s7], $0x5FFFF  }
0xac: {  	[dreg:$0x1] =	wrdreg $0xFFFFFFFF  }
0xad: {  	[dreg:$0x0] =	wrdreg $0x60  }
0xae: {  	[dreg:$0x2] =	wrdreg s24  }
0xaf: {  	[dreg:$0x3] =	wrdreg s2  }
0xb0: {  	[dreg:$0x4] =	wrdreg $0x9  }
0xb1: {  	_ =	task.clear_ibuf [dreg:s7], $0x5FFFF;
	_ =	strace $0x90000046  }
0xb2: {  	s29 =	simm.s32 $0x9;
	_ =	strace $0x80000048  }
0xb3: {  	_ =	swait.ge [sflag:s29], $0x1  }
0xb4: {  	[sflag:s29] =	ssyncadd.s32 $0xFFFFFFFF  }
0xb5: {  	_ =	strace $0x90000048  }
0xb6: {  	_ =	sfence  }
0xb7: {  	s30 =	sld [smem:$0x0];
	_ =	sdelay $0x2  }
0xb8: {  	s31 =	sshll.u32 s1, $0xD;
	s1 =	sshrl.u32 s1, $0x2  }
0xb9: {  	s3 =	sand.u32 $0x4000, s31;
	s1 =	sadd.s32 s1, s30  }
0xba: {  	s0 =	sor.u32 s3, s0;
	s1 =	sshll.u32 s1, $0x11  }
0xbb: {  	s0 =	sor.u32 s1, s0  }
0xbc: {  	s0 =	sadd.s32 $0x8F2B, s0  }
0xbd: {  	[sflag:s0] =	ssyncadd.remote.s32 $0x1  }
0xbe: {  	_ =	sfence.sel $0xFFFF  }
0xbf: {  	[dreg:$0x0] =	wrdreg $0xFFFFFFFF;
	(pc) =	sbr.abs _section_cstart, $3  }
0xc0: {  	[dreg:$0x1] =	wrdreg $0xFFFFFFFF  }
0xc1: {  	_ =	task.clear_ibuf [dreg:s7], $0x2FFFF;
	_ =	strace $0x9FFFFFFF  }
0xc2: {  	(tm) =	ssettm $0x7FFFFFFF  }
0xc3: {  	_ =	shalt  }
tec
execute0_lowered:
.L_overlay_start_1:
0x0: {  	(tag) =	ssettag $0x1  }
0x1: {  	s1 =	rddreg [dreg:$0x0]  }
0x2: {  	s2 =	rddreg [dreg:$0x1];
	s3 =	srdreg.scid  }
0x3: {  	s0 =	rddreg [dreg:$0x2];
	s4 =	simm.s32 $0x0;
	s10 =	simm.s32 $0x10000  }
0x4: {  	s11 =	simm.s32 $0x0;
	s6 =	sand.u32 $0x1, s3;
	[smem:$0x7FF] =	sst s4  }
0x5: {  	s3 =	stileid.u32;
	s5 =	sadd.s32 $0x300000, s1;
	s7 =	ssub.s32 $0x2, s6  }
0x6: {  	_ =	strace $0x80000047;
	s9 =	sshll.u32 s3, $0x1;
	s8 =	sshrl.u32 s7, $0x1  }
0x7: {  	s6 =	sor.u32 s6, s9;
	s9 =	simm.s32 $0x8000;
	s7 =	ssub.s32 s7, s8  }
0x8: {  	s6 =	smul.u32 $0xC0000, s6;
	s8 =	simm.s32 $0x1;
	s7 =	smax.u32 s7, $0x1  }
.LBB2_1:
0x9: {  	s12 =	simm.s32 $0x0  }
.LBB2_2:
0xa: {  	s13 =	sshll.u32 s12, $0xF  }
0xb: {  	s13 =	sadd.s32 s6, s13  }
0xc: {  	s13 =	sshrl.u32 s13, $0x3  }
0xd: {  	s14 =	simm.s32 $0x0;
	s15 =	sadd.s32 s1, s13  }
0xe: {  	[tilespmem:s14], [sflag:$0x1] =	stream.linear.gather [hbm4b:s15+s14], $0x8000, $0x38;
	[tilespmem:$0x18000] =	vst v63  }
0xf: {  	_ =	swait.ge [sflag:s8], $0x8000  }
0x10: {  	[sflag:s8] =	ssyncset.done $0x0  }
0x11: {  	s31 =	sadd.s32 s5, s13;
	[sflag:s8] =	ssyncadd.s32 $0xFFFF8000  }
0x12: {  	[tilespmem:s9], [sflag:$0x1] =	stream.linear.gather [hbm4b:s31+s14], $0x8000, $0x38;
	[tilespmem:$0x18000] =	vst v63  }
0x13: {  	_ =	swait.ge [sflag:s8], $0x8000  }
0x14: {  	[sflag:s8] =	ssyncset.done $0x0  }
0x15: {  	s16 =	simm.s32 $0x0;
	s15 =	simm.s32 $0x0;
	[sflag:s8] =	ssyncadd.s32 $0xFFFF8000  }
.LBB2_3:
0x16: {  	s17 =	sand.u32 $0x70, s16;
	s18 =	sand.u32 $0x3C00, s15  }
0x17: {  	s17 =	sor.u32 s17, s18  }
0x18: {  	v0 =	vld [tilespmem:s17+$0x0];
	_ =	sdelay $0x4  }
0x19: {  	v1 =	vshll.u32 v0, $0x3  }
0x1a: {  	v0 =	vand.u32 $0x7F, v0;
	v1 =	vand.u32 $0xFFFFFC00, v1  }
0x1b: {  	v2 =	vld [tilespmem:s17+$0x8000];
	v0 =	vor.u32 v0, v1;
	_ =	sdelay $0x4  }
0x1c: {  	[tilespmem:v0+s10+$0x0] =	vst.idx.msk $0xffff, v2  }
0x1d: {  	v0 =	vld [tilespmem:s17+$0x80];
	_ =	sdelay $0x4  }
0x1e: {  	v34 =	vshll.u32 v0, $0x3  }
0x1f: {  	v0 =	vand.u32 $0x7F, v0;
	v1 =	vand.u32 $0xFFFFFC00, v34  }
0x20: {  	v0 =	vor.u32 v1, v0  }
0x21: {  	v35 =	vld [tilespmem:s17+$0x8080];
	v0 =	vor.u32 $0x80, v0;
	_ =	sdelay $0x4  }
0x22: {  	[tilespmem:v0+s10+$0x0] =	vst.idx.msk $0xffff, v35  }
0x23: {  	v0 =	vld [tilespmem:s17+$0x100];
	_ =	sdelay $0x4  }
0x24: {  	v36 =	vshll.u32 v0, $0x3  }
0x25: {  	v0 =	vand.u32 $0x7F, v0;
	v1 =	vand.u32 $0xFFFFFC00, v36  }
0x26: {  	v0 =	vor.u32 v1, v0  }
0x27: {  	v37 =	vld [tilespmem:s17+$0x8100];
	v0 =	vor.u32 $0x100, v0;
	_ =	sdelay $0x4  }
0x28: {  	[tilespmem:v0+s10+$0x0] =	vst.idx.msk $0xffff, v37  }
0x29: {  	v0 =	vld [tilespmem:s17+$0x180];
	_ =	sdelay $0x4  }
0x2a: {  	v38 =	vshll.u32 v0, $0x3  }
0x2b: {  	v0 =	vand.u32 $0x7F, v0;
	v1 =	vand.u32 $0xFFFFFC00, v38  }
0x2c: {  	v0 =	vor.u32 v1, v0  }
0x2d: {  	v39 =	vld [tilespmem:s17+$0x8180];
	v0 =	vor.u32 $0x180, v0;
	_ =	sdelay $0x4  }
0x2e: {  	[tilespmem:v0+s10+$0x0] =	vst.idx.msk $0xffff, v39  }
0x2f: {  	v0 =	vld [tilespmem:s17+$0x200];
	_ =	sdelay $0x4  }
0x30: {  	v40 =	vshll.u32 v0, $0x3  }
0x31: {  	v0 =	vand.u32 $0x7F, v0;
	v1 =	vand.u32 $0xFFFFFC00, v40  }
0x32: {  	v0 =	vor.u32 v1, v0  }
0x33: {  	v41 =	vld [tilespmem:s17+$0x8200];
	v0 =	vor.u32 $0x200, v0;
	_ =	sdelay $0x4  }
0x34: {  	[tilespmem:v0+s10+$0x0] =	vst.idx.msk $0xffff, v41  }
0x35: {  	v0 =	vld [tilespmem:s17+$0x280];
	_ =	sdelay $0x4  }
0x36: {  	v42 =	vshll.u32 v0, $0x3  }
0x37: {  	v0 =	vand.u32 $0x7F, v0;
	v1 =	vand.u32 $0xFFFFFC00, v42  }
0x38: {  	v0 =	vor.u32 v1, v0  }
0x39: {  	v43 =	vld [tilespmem:s17+$0x8280];
	v0 =	vor.u32 $0x280, v0;
	_ =	sdelay $0x4  }
0x3a: {  	[tilespmem:v0+s10+$0x0] =	vst.idx.msk $0xffff, v43  }
0x3b: {  	v0 =	vld [tilespmem:s17+$0x300];
	_ =	sdelay $0x4  }
0x3c: {  	v44 =	vshll.u32 v0, $0x3  }
0x3d: {  	v0 =	vand.u32 $0x7F, v0;
	v1 =	vand.u32 $0xFFFFFC00, v44  }
0x3e: {  	v0 =	vor.u32 v1, v0  }
0x3f: {  	v45 =	vld [tilespmem:s17+$0x8300];
	v0 =	vor.u32 $0x300, v0;
	_ =	sdelay $0x1  }
0x40: {  	s30 =	sand.u32 $0x7, s14  }
0x41: {  	s18 =	sshll.u32 s30, $0x4  }
0x42: {  	s18 =	sadd.s32 s18, s15  }
0x43: {  	s19 =	sor.u32 $0x380, s18;
	[tilespmem:v0+s10+$0x0] =	vst.idx.msk $0xffff, v45  }
0x44: {  	v0 =	vld [tilespmem:s19+$0x0];
	_ =	sdelay $0x4  }
0x45: {  	v46 =	vshll.u32 v0, $0x3  }
0x46: {  	v0 =	vand.u32 $0x7F, v0;
	v1 =	vand.u32 $0xFFFFFC00, v46  }
0x47: {  	v0 =	vor.u32 v1, v0  }
0x48: {  	v47 =	vld [tilespmem:s19+$0x8000];
	v0 =	vor.u32 $0x380, v0;
	_ =	sdelay $0x4  }
0x49: {  	[tilespmem:v0+s10+$0x0] =	vst.idx.msk $0xffff, v47  }
0x4a: {  	v0 =	vld [tilespmem:s17+$0x4000];
	_ =	sdelay $0x4  }
0x4b: {  	v48 =	vshll.u32 v0, $0x3  }
0x4c: {  	v0 =	vand.u32 $0x7F, v0;
	v1 =	vand.u32 $0xFFFFFC00, v48  }
0x4d: {  	v0 =	vor.u32 v0, v1  }
0x4e: {  	v49 =	vld [tilespmem:s17+$0xC000];
	v0 =	vadd.s32 $0x4000, v0;
	_ =	sdelay $0x4  }
0x4f: {  	[tilespmem:v0+s10+$0x0] =	vst.idx.msk $0xffff, v49  }
0x50: {  	v0 =	vld [tilespmem:s17+$0x4080];
	_ =	sdelay $0x4  }
0x51: {  	v50 =	vshll.u32 v0, $0x3  }
0x52: {  	v0 =	vand.u32 $0x7F, v0;
	v1 =	vand.u32 $0xFFFFFC00, v50  }
0x53: {  	v0 =	vor.u32 v0, v1  }
0x54: {  	v51 =	vld [tilespmem:s17+$0xC080];
	v0 =	vadd.s32 $0x4080, v0;
	_ =	sdelay $0x4  }
0x55: {  	[tilespmem:v0+s10+$0x0] =	vst.idx.msk $0xffff, v51  }
0x56: {  	v0 =	vld [tilespmem:s17+$0x4100];
	_ =	sdelay $0x4  }
0x57: {  	v52 =	vshll.u32 v0, $0x3  }
0x58: {  	v0 =	vand.u32 $0x7F, v0;
	v1 =	vand.u32 $0xFFFFFC00, v52  }
0x59: {  	v0 =	vor.u32 v0, v1  }
0x5a: {  	v53 =	vld [tilespmem:s17+$0xC100];
	v0 =	vadd.s32 $0x4100, v0;
	_ =	sdelay $0x4  }
0x5b: {  	[tilespmem:v0+s10+$0x0] =	vst.idx.msk $0xffff, v53  }
0x5c: {  	v0 =	vld [tilespmem:s17+$0x4180];
	_ =	sdelay $0x4  }
0x5d: {  	v54 =	vshll.u32 v0, $0x3  }
0x5e: {  	v0 =	vand.u32 $0x7F, v0;
	v1 =	vand.u32 $0xFFFFFC00, v54  }
0x5f: {  	v0 =	vor.u32 v0, v1  }
0x60: {  	v55 =	vld [tilespmem:s17+$0xC180];
	v0 =	vadd.s32 $0x4180, v0;
	_ =	sdelay $0x4  }
0x61: {  	[tilespmem:v0+s10+$0x0] =	vst.idx.msk $0xffff, v55  }
0x62: {  	v0 =	vld [tilespmem:s17+$0x4200];
	_ =	sdelay $0x4  }
0x63: {  	v56 =	vshll.u32 v0, $0x3  }
0x64: {  	v0 =	vand.u32 $0x7F, v0;
	v1 =	vand.u32 $0xFFFFFC00, v56  }
0x65: {  	v0 =	vor.u32 v0, v1  }
0x66: {  	v57 =	vld [tilespmem:s17+$0xC200];
	v0 =	vadd.s32 $0x4200, v0;
	_ =	sdelay $0x4  }
0x67: {  	[tilespmem:v0+s10+$0x0] =	vst.idx.msk $0xffff, v57  }
0x68: {  	v0 =	vld [tilespmem:s17+$0x4280];
	_ =	sdelay $0x4  }
0x69: {  	v58 =	vshll.u32 v0, $0x3  }
0x6a: {  	v0 =	vand.u32 $0x7F, v0;
	v1 =	vand.u32 $0xFFFFFC00, v58  }
0x6b: {  	v0 =	vor.u32 v0, v1  }
0x6c: {  	v59 =	vld [tilespmem:s17+$0xC280];
	v0 =	vadd.s32 $0x4280, v0;
	_ =	sdelay $0x4  }
0x6d: {  	[tilespmem:v0+s10+$0x0] =	vst.idx.msk $0xffff, v59  }
0x6e: {  	v0 =	vld [tilespmem:s17+$0x4300];
	_ =	sdelay $0x4  }
0x6f: {  	v60 =	vshll.u32 v0, $0x3  }
0x70: {  	v0 =	vand.u32 $0x7F, v0;
	v1 =	vand.u32 $0xFFFFFC00, v60  }
0x71: {  	v0 =	vor.u32 v0, v1  }
0x72: {  	v61 =	vld [tilespmem:s17+$0xC300];
	v0 =	vadd.s32 $0x4300, v0;
	_ =	sdelay $0x4  }
0x73: {  	s31 =	sor.u32 $0x4380, s18;
	[tilespmem:v0+s10+$0x0] =	vst.idx.msk $0xffff, v61  }
0x74: {  	v0 =	vld [tilespmem:s31+$0x0];
	_ =	sdelay $0x4  }
0x75: {  	v62 =	vshll.u32 v0, $0x3  }
0x76: {  	v0 =	vand.u32 $0x7F, v0;
	v1 =	vand.u32 $0xFFFFFC00, v62  }
0x77: {  	v0 =	vor.u32 v0, v1  }
0x78: {  	p0 =	sne.s32 s16, $0x7F0;
	v63 =	vld [tilespmem:s31+$0x8000];
	v0 =	vadd.s32 $0x4380, v0  }
.Ltmp0:
0x79: {  	_ = 	snop;
	(pc) =	sbr.rel @p0 .LBB2_3-.Ltmp0, $2  }
0x7a: {  	_ =	sdelay $0x2  }
0x7b: {  	s14 =	sadd.s32 $0x1, s14;
	s16 =	sadd.s32 $0x10, s16;
	s15 =	sadd.s32 $0x80, s15;
	[tilespmem:v0+s10+$0x0] =	vst.idx.msk $0xffff, v63  }
0x7c: {  	s12 =	sadd.s32 $0x1, s12  }
0x7d: {  	p0 =	sne.s32 s12, $0x18  }
.Ltmp1:
0x7e: {  	s13 =	sadd.s32 s2, s13;
	(pc) =	sbr.rel @p0 .LBB2_2-.Ltmp1, $4  }
0x7f: {  	[hbm4b:s13+s4] =	stream.linear.scatter [tilespmem:s10], [sflag:$0x1], $0x8000, $0x38;
	[tilespmem:$0x18000] =	vst v63  }
0x80: {  	_ =	swait.ge [sflag:s8], $0x8000  }
0x81: {  	[sflag:s8] =	ssyncset.done $0x0  }
0x82: {  	[sflag:s8] =	ssyncadd.s32 $0xFFFF8000  }
0x83: {  	s11 =	sadd.s32 $0x1, s11  }
0x84: {  	p0 =	sne.s32 s11, s7  }
.Ltmp2:
0x85: {  	_ = 	snop;
	(pc) =	sbr.rel @p0 .LBB2_1-.Ltmp2, $1  }
0x86: {  	_ =	sdelay $0x3  }
0x87: {  	_ =	sfence.sel $0x180000  }
0x88: {  	[bflag:$0x0] =	sbarrier.arrive $0xFFFF  }
0x89: {  	p0 =	sne.s32 s3, $0x0;
	_ =	strace $0x90000047  }
0x8a: {  	s0 =	sadd.s32 @!p0 $0x100000, s0;
	[bflag:$0x2] =	sbarrier.arrive $0xFFFF  }
0x8b: {  	[sflag:s0] =	ssyncadd.tile.s32 @!p0 $0x1;
	_ =	shalt  }
.Lfunc_end2:
_tile_overlayer_lowered:
.L_overlay_start_2:
0x8c: {  	(tag) =	ssettag $0x2  }
0x8d: {  	s0 =	rddreg [dreg:$0x0];
	s2 =	stileid.u32  }
0x8e: {  	s1 =	rddreg [dreg:$0x1];
	p0 =	sne.s32 s2, $0x0  }
0x8f: {  	s3 =	rddreg [dreg:$0x2];
	[bflag:$0x3] =	sbarrier.arrive $0xFFFF;
	s2 =	simm.s32 @!p0 $0x1C01  }
0x90: {  	[timem:s3], [sflag:s2] =	dma.local @!p0 [hbm:s0], s1  }
0x91: {  	s0 =	simm.s32 @!p0 $0x1  }
0x92: {  	_ =	swait.ge @!p0 [sflag:s0], s1  }
0x93: {  	s1 =	ssub.s32 @!p0 $0x0, s1;
	[sflag:s0] =	ssyncset.done @!p0 $0x0  }
0x94: {  	[sflag:s0] =	ssyncadd.s32 @!p0 s1  }
0x95: {  	[bflag:$0x3] =	sbarrier.arrive $0xFFFF  }
0x96: {  	_ =	shalt  }

// kernel: sparse-core-data-format-call.cloned.1.call-start
scs
called_computation_lowered:
.L_overlay_start_0:
0x0: {  	s2 =	sld [smem:$0x3FD9]  }
0x1: {  	s3 =	sld [smem:$0x3FFE];
	_ =	sdelay $0x1  }
0x2: {  	s1 =	srdreg.scid  }
0x3: {  	s0 =	sand.u32 $0x1, s1  }
0x4: {  	s18 =	sshll.u32 s0, $0xA;
	s2 =	sadd.s32 s3, s2  }
0x5: {  	s2 =	sadd.s32 s2, s18  }
0x6: {  	[smem:$0x3FC6] =	sst s2  }
0x7: {  	_ = 	snop  }
0x8: {  	s2 =	sld [smem:$0x3FD0];
	(tm) =	ssettm $0x1  }
0x9: {  	s19 =	sld [smem:$0x3FFB];
	_ =	sdelay $0x3  }
0xa: {  	_ =	strace s19  }
0xb: {  	s3 =	sld [smem:$0x3FFC];
	_ =	sdelay $0x3  }
0xc: {  	_ =	strace s3  }
0xd: {  	s3 =	sld [smem:$0x3FFD];
	_ =	sdelay $0x3  }
0xe: {  	_ =	strace s3  }
0xf: {  	_ =	strace $0x8FFFFFFF  }
0x10: {  	s20 =	sld [smem:$0x3FDB];
	_ =	sdelay $0x1  }
0x11: {  	s4 =	simm.s32 $_scs_section_size  }
0x12: {  	s5 =	simm.s32 $_size__tile_overlayer_lowered;
	s6 =	simm.s32 $_tile_overlayer_lowered  }
0x13: {  	s23 =	simm.s32 $0x1BFF;
	s22 =	sshll.u32 s6, $0x1;
	s3 =	sadd.s32 s4, s20  }
0x14: {  	s7 =	simm.s32 $0x0;
	s21 =	sshll.u32 s5, $0x1;
	s5 =	sadd.s32 s22, s3  }
0x15: {  	[timem:s7], [sflag:s23] =	dma.local [hbm:s5], s21  }
0x16: {  	_ =	swait.ge [sflag:s23], s21  }
0x17: {  	s4 =	ssub.s32 $0x0, s21;
	[sflag:s23] =	ssyncset.done $0x0  }
0x18: {  	[sflag:s23] =	ssyncadd.s32 s4;
	_ =	sdelay $0x1  }
0x19: {  	s24 =	simm.s32 $0x1B8B  }
0x1a: {  	_ =	swait.ge [sflag:s24], $0x1  }
0x1b: {  	[sflag:s24] =	ssyncset.done $0x0  }
0x1c: {  	s26 =	simm.s32 $0x1B8E;
	s25 =	sld [smem:$0x3FFE];
	[sflag:s24] =	ssyncadd.s32 $0xFFFFFFFF  }
0x1d: {  	s27 =	simm.s32 $execute0_lowered;
	[smem:$0x3FD2] =	sst s26  }
0x1e: {  	s5 =	sshll.u32 s27, $0x1;
	_ =	strace $0x80000049;
	[dreg:$0x1] =	wrdreg $0xFFFFFFFF  }
0x1f: {  	s28 =	simm.s32 $_size_execute0_lowered;
	s3 =	sadd.s32 s3, s5;
	[dreg:$0x0] =	wrdreg $0x0  }
0x20: {  	s5 =	sshll.u32 s28, $0x1;
	[dreg:$0x2] =	wrdreg s3  }
0x21: {  	[dreg:$0x3] =	wrdreg s5  }
0x22: {  	[dreg:$0x4] =	wrdreg $0xC0  }
0x23: {  	_ =	task [dreg:s7], $0x5FFFF  }
0x24: {  	[dreg:$0x1] =	wrdreg $0xFFFFFFFF  }
0x25: {  	[dreg:$0x0] =	wrdreg $0x60  }
0x26: {  	[dreg:$0x2] =	wrdreg s25  }
0x27: {  	[dreg:$0x3] =	wrdreg s2  }
0x28: {  	[dreg:$0x4] =	wrdreg $0x9  }
0x29: {  	_ =	task.clear_ibuf [dreg:s7], $0x5FFFF;
	_ =	strace $0x90000049  }
0x2a: {  	s29 =	simm.s32 $0x9;
	_ =	strace $0x8000004B  }
0x2b: {  	_ =	swait.ge [sflag:s29], $0x1  }
0x2c: {  	[sflag:s29] =	ssyncadd.s32 $0xFFFFFFFF  }
0x2d: {  	_ =	strace $0x9000004B  }
0x2e: {  	_ =	sfence  }
0x2f: {  	s30 =	sld [smem:$0x0];
	_ =	sdelay $0x2  }
0x30: {  	s31 =	sshll.u32 s1, $0xD;
	s1 =	sshrl.u32 s1, $0x2  }
0x31: {  	s3 =	sand.u32 $0x4000, s31;
	s1 =	sadd.s32 s1, s30  }
0x32: {  	s0 =	sor.u32 s3, s0;
	s1 =	sshll.u32 s1, $0x11  }
0x33: {  	s0 =	sor.u32 s1, s0  }
0x34: {  	s0 =	sadd.s32 $0x8F2B, s0  }
0x35: {  	[sflag:s0] =	ssyncadd.remote.s32 $0x1  }
0x36: {  	_ =	sfence.sel $0xFFFF  }
0x37: {  	[dreg:$0x0] =	wrdreg $0xFFFFFFFF;
	(pc) =	sbr.abs _section_cstart, $3  }
0x38: {  	[dreg:$0x1] =	wrdreg $0xFFFFFFFF  }
0x39: {  	_ =	task.clear_ibuf [dreg:s7], $0x2FFFF;
	_ =	strace $0x9FFFFFFF  }
0x3a: {  	(tm) =	ssettm $0x7FFFFFFF  }
0x3b: {  	_ =	shalt  }
tec
execute0_lowered:
.L_overlay_start_1:
0x0: {  	(tag) =	ssettag $0x1  }
0x1: {  	s2 =	rddreg [dreg:$0x0]  }
0x2: {  	s0 =	stileid.u32;
	s4 =	rddreg [dreg:$0x1]  }
0x3: {  	s6 =	srdreg.scid;
	s31 =	simm.s32 $0x2;
	s15 =	simm.s32 $0x0  }
0x4: {  	p0 =	por $0x0, $0x0;
	s9 =	simm.s32 $0x800;
	s1 =	sshll.u32 s0, $0x7  }
0x5: {  	s14 =	simm.s32 $0x0;
	s16 =	simm.s32 $0x0;
	s3 =	sand.u32 $0x80, s1  }
0x6: {  	s12 =	simm.s32 $0x0;
	s13 =	simm.s32 $0x0;
	s5 =	ssub.s32 $0x100, s3  }
0x7: {  	s6 =	sshll.u32 s6, $0x4;
	s1 =	rddreg [dreg:$0x2];
	s7 =	sshrl.u32 s5, $0x7  }
.Ltmp0:
0x8: {  	s5 =	sshrl.u32 s5, $0x8;
	s7 =	sand.u32 $0x1, s7;
	(pc) =	sbr.rel .LBB1_1-.Ltmp0, $4  }
0x9: {  	_ =	strace $0x8000004A;
	s6 =	sand.u32 $0x10, s6;
	s7 =	sadd.s32 s5, s7  }
0xa: {  	s8 =	sor.u32 s0, s6;
	s5 =	simm.s32 $0x1;
	s6 =	smul.u32 $0x60, s7  }
0xb: {  	s11 =	smov.u32 s3;
	s7 =	sshrl.u32 s8, $0x1;
	[sflag:s5] =	ssyncpa.u1 $0x0  }
0xc: {  	[sflag:s31] =	ssyncpa.u1 $0x0;
	s10 =	smov.u32 s7;
	s8 =	sor.u32 $0x1, s6  }
.LBB1_4:
0xd: {  	s16 =	sshll.u32 s16, $0x10  }
0xe: {  	s19 =	sand.u32 $0x780, s14;
	s15 =	sshll.u32 s15, $0xB;
	s16 =	sadd.s32 s4, s16  }
0xf: {  	[tilespmem:s18+$0x810 ss:$0x81] =	vst.msk $0xffff, v2;
	s20 =	sshrl.u32 s14, $0x3;
	s30 =	sand.u32 $0x7, s14;
	s16 =	sadd.s32 s19, s16  }
0x10: {  	[tilespmem:s18+$0x1020 ss:$0x81] =	vst.msk $0xffff, v0;
	s31 =	sand.u32 $0xF, s20;
	s14 =	sshll.u32 s30, $0x12;
	s15 =	sadd.s32 s15, s16  }
0x11: {  	[tilespmem:s18+$0x0 ss:$0x81] =	vst.msk $0xffff, v1;
	s14 =	sor.u32 $0x400, s14;
	s15 =	sadd.s32 s31, s15  }
0x12: {  	[hbm4b:s15+s14] =	stream.strided.scatter [tilespmem:s17], [sflag:$0x2], $0x2000, s9, s14, $0x20;
	[tilespmem:$0x8080] =	vst v63  }
.LBB1_5:
0x13: {  	s17 =	sadd.s32 $0x10, s10  }
0x14: {  	s14 =	sadd.s32 $0x100, s11;
	s18 =	smov.u32 s11;
	p2 =	sgt.s32 s17, $0x1F  }
0x15: {  	s18 =	smov.u32 @p2 s14  }
0x16: {  	s14 =	simm.s32 $0x1;
	p3 =	sgt.s32 s18, $0xFF  }
0x17: {  	s14 =	simm.s32 @!p3 $0x0  }
0x18: {  	s20 =	sadd.s32 s14, s12  }
0x19: {  	s17 =	smov.u32 @p2 s7;
	p2 =	sgt.s32 s20, $0x2F  }
0x1a: {  	p1 =	slt.u32 s13, $0x2;
	s20 =	simm.s32 @p2 $0x0;
	p2 =	sne.s32 s13, s8  }
.Ltmp1:
0x1b: {  	s19 =	simm.s32 @!p1 $0x2;
	(pc) =	sbr.rel @!p2 .LBB1_6-.Ltmp1, $4  }
0x1c: {  	s15 =	smov.u32 s10;
	s16 =	smov.u32 s12;
	_ =	swait.ge @!p1 [sflag:s19], $0x2000  }
0x1d: {  	p0 =	por !p0, !p0;
	[sflag:s19] =	ssyncset.done @!p1 $0x0;
	s10 =	smov.u32 s17  }
0x1e: {  	s18 =	smov.u32 @p3 s3;
	[sflag:s19] =	ssyncadd.s32 @!p1 $0xFFFFE000;
	s14 =	smov.u32 s11  }
0x1f: {  	s11 =	smov.u32 s18;
	s13 =	sadd.s32 $0x1, s13;
	s12 =	smov.u32 s20  }
.LBB1_1:
0x20: {  	p1 =	sge.u32 s13, s6;
	s31 =	sadd.s32 $0xFFFFFFFF, s13  }
0x21: {  	s17 =	sxor.u32 @!p1 $0xFFFFFFFF, s13;
	s18 =	sshll.u32 @!p1 s12, $0x11;
	s19 =	sshll.u32 @!p1 s11, $0x9  }
0x22: {  	s20 =	sshll.u32 @!p1 s10, $0x4;
	s17 =	sshll.u32 @!p1 s17, $0xD;
	s18 =	sadd.s32 @!p1 s2, s18  }
0x23: {  	s20 =	sand.u32 @!p1 $0x1F0, s20;
	s17 =	sand.u32 @!p1 $0x2000, s17;
	s18 =	sadd.s32 @!p1 s19, s18  }
0x24: {  	s19 =	simm.s32 @!p1 $0x40;
	s18 =	sadd.s32 @!p1 s20, s18;
	s20 =	simm.s32 @!p1 $0x1000  }
0x25: {  	[tilespmem:s17], [sflag:$0x1] =	stream.strided.gather @!p1 [hbm4b:s18+s19], $0x2000, s20, s19, $0x38;
	[tilespmem:$0x8080] =	vst v63  }
0x26: {  	p1 =	sge.u32 s31, s6  }
.Ltmp2:
0x27: {  	_ = 	snop;
	(pc) =	sbr.rel @p1 .LBB1_5-.Ltmp2, $1  }
0x28: {  	_ =	sdelay $0x3  }
0x29: {  	s17 =	simm.s32 $0x1  }
0x2a: {  	_ =	swait.ge [sflag:s5], $0x2000;
	s17 =	simm.s32 @!p0 $0x0  }
0x2b: {  	[sflag:s5] =	ssyncset.done $0x0;
	s18 =	sshll.u32 s17, $0xD  }
0x2c: {  	[sflag:s5] =	ssyncadd.s32 $0xFFFFE000;
	s21 =	sor.u32 $0x20, s18  }
0x2d: {  	s17 =	smul.u32 $0x8100, s17;
	v3 =	vld [tilespmem:s21+$0x10]  }
0x2e: {  	s30 =	sand.u32 $0x1, s13;
	v2 =	vld [tilespmem:s21+$0xFFFFFFF0]  }
0x2f: {  	s18 =	smul.u32 $0x8100, s30;
	s17 =	sshrl.u32 s17, $0x2;
	v0 =	vld [tilespmem:s21+$0x0]  }
0x30: {  	v1 =	vld [tilespmem:s21+$0xFFFFFFE0];
	s19 =	sor.u32 $0x4000, s17  }
0x31: {  	s31 =	sshrl.u32 s18, $0x2;
	s18 =	sadd.s32 $0x0, s19  }
0x32: {  	s20 =	simm.s32 $0x4;
	s21 =	sadd.s32 $0x40, s21;
	s17 =	sor.u32 $0x4000, s31;
	[tilespmem:s18+$0x1830 ss:$0x81] =	vst.msk $0xffff, v3  }
.LBB1_3:
0x33: {  	v3 =	vld [tilespmem:s21+$0x10];
	p1 =	sne.s32 s20, $0x1FC;
	[tilespmem:s18+$0x810 ss:$0x81] =	vst.msk $0xffff, v2;
	s22 =	smov.u32 s20;
	s20 =	sadd.s32 $0x4, s20  }
.Ltmp3:
0x34: {  	v2 =	vld [tilespmem:s21+$0xFFFFFFF0];
	[tilespmem:s18+$0x1020 ss:$0x81] =	vst.msk $0xffff, v0;
	(pc) =	sbr.rel @p1 .LBB1_3-.Ltmp3, $4  }
0x35: {  	v0 =	vld [tilespmem:s21+$0x0];
	[tilespmem:s18+$0x0 ss:$0x81] =	vst.msk $0xffff, v1  }
0x36: {  	s18 =	sshra.s32 s22, $0x2;
	v1 =	vld [tilespmem:s21+$0xFFFFFFE0]  }
0x37: {  	s18 =	sadd.s32 s18, s19  }
0x38: {  	s21 =	sadd.s32 $0x40, s21;
	[tilespmem:s18+$0x1830 ss:$0x81] =	vst.msk $0xffff, v3  }
.Ltmp4:
0x39: {  	_ = 	snop;
	(pc) =	sbr.rel .LBB1_4-.Ltmp4, $1  }
0x3a: {  	_ =	sdelay $0x3  }
.LBB1_6:
0x3b: {  	_ =	sfence.sel $0x180000  }
0x3c: {  	s2 =	simm.s32 $0x1;
	[bflag:$0x0] =	sbarrier.arrive $0xFFFF  }
0x3d: {  	s31 =	simm.s32 $0x2;
	[sflag:s2] =	ssyncpa.u1 $0x1  }
0x3e: {  	[sflag:s31] =	ssyncpa.u1 $0x1  }
0x3f: {  	p0 =	sne.s32 s0, $0x0;
	_ =	strace $0x9000004A  }
0x40: {  	s0 =	sadd.s32 @!p0 $0x100000, s1;
	[bflag:$0x2] =	sbarrier.arrive $0xFFFF  }
0x41: {  	[sflag:s0] =	ssyncadd.tile.s32 @!p0 $0x1;
	_ =	shalt  }
.Lfunc_end1:
_tile_overlayer_lowered:
.L_overlay_start_2:
0x42: {  	(tag) =	ssettag $0x2  }
0x43: {  	s0 =	rddreg [dreg:$0x0];
	s2 =	stileid.u32  }
0x44: {  	s1 =	rddreg [dreg:$0x1];
	p0 =	sne.s32 s2, $0x0  }
0x45: {  	s3 =	rddreg [dreg:$0x2];
	[bflag:$0x3] =	sbarrier.arrive $0xFFFF;
	s2 =	simm.s32 @!p0 $0x1C01  }
0x46: {  	[timem:s3], [sflag:s2] =	dma.local @!p0 [hbm:s0], s1  }
0x47: {  	s0 =	simm.s32 @!p0 $0x1  }
0x48: {  	_ =	swait.ge @!p0 [sflag:s0], s1  }
0x49: {  	s1 =	ssub.s32 @!p0 $0x0, s1;
	[sflag:s0] =	ssyncset.done @!p0 $0x0  }
0x4a: {  	[sflag:s0] =	ssyncadd.s32 @!p0 s1  }
0x4b: {  	[bflag:$0x3] =	sbarrier.arrive $0xFFFF  }
0x4c: {  	_ =	shalt  }

</sc_bundles>
